<compile_context>
chip_gen: v7x
topology: tpu7x:2x2x1
jax: 0.10.2.dev20260603
libtpu: 0.0.44.dev20260713+nightly
codegen_flags: <defaults>
</compile_context>

<pallas_src>
import dataclasses

import jax
import jax.numpy as jnp
from jax import lax
from jax.experimental import pallas as pl
from jax.experimental.pallas import tpu as pltpu
from jax.experimental.pallas import tpu_sc as plsc

B, D, H, E, NX = 8192, 4096, 64, 8, 256
BC = 512
BT = 512
P = B + E * BT
NB = P // BT
NBE = 128

_SC_PARAMS = pltpu.CompilerParams()
if "needs_layout_passes" in pltpu.CompilerParams.__dataclass_fields__:
    _SC_PARAMS = dataclasses.replace(_SC_PARAMS, needs_layout_passes=False)

NC, NS = 2, 16
NW = NC * NS
TPW = B // NW
CHG = 128


def _lane_cumsum8(x):
    for sh in (1, 2, 4):
        x = x + jnp.pad(x, ((0, 0), (sh, 0)))[:, :E]
    return x


def _tail_body(h0_ref, Wc1_ref, bc1_ref, Wc2_ref, bc2_ref, Wc3_ref, bc3_ref,
               modes_ref, rank_ref, counts_ref, be_ref, carry_ref):
    h0 = h0_ref[...]
    h1 = jax.nn.relu(jnp.dot(h0, Wc1_ref[...],
                             preferred_element_type=jnp.float32) + bc1_ref[...])
    h2 = jax.nn.relu(jnp.dot(h1, Wc2_ref[...],
                             preferred_element_type=jnp.float32) + bc2_ref[...])
    logits = jnp.dot(h2, Wc3_ref[...],
                     preferred_element_type=jnp.float32) + bc3_ref[...]
    m = jnp.max(logits, axis=-1, keepdims=True)
    u = jnp.exp(logits - m)
    p = u / jnp.sum(u, axis=-1, keepdims=True)
    pmax = jnp.max(p, axis=-1, keepdims=True)
    iota_e = lax.broadcasted_iota(jnp.int32, (BC, E), 1)
    modes = jnp.min(jnp.where(p == pmax, iota_e, E), axis=-1, keepdims=True)
    modes_ref[...] = modes

    @pl.when(pl.program_id(0) == 0)
    def _():
        carry_ref[...] = jnp.zeros((1, E), jnp.float32)

    carry = carry_ref[...]
    onehot = (modes == iota_e).astype(jnp.float32)
    r = lax.broadcasted_iota(jnp.int32, (BC, BC), 0)
    c = lax.broadcasted_iota(jnp.int32, (BC, BC), 1)
    tri = (c <= r).astype(jnp.float32)
    incl = jnp.dot(tri, onehot, preferred_element_type=jnp.float32)
    rank = jnp.sum(onehot * (incl + carry - 1.0), axis=-1, keepdims=True)
    rank_ref[...] = rank.astype(jnp.int32)
    carry_new = carry + incl[BC - 1:BC, :]
    carry_ref[...] = carry_new

    counts_ref[...] = jnp.pad(carry_new.astype(jnp.int32), ((0, 0), (0, E)))
    nb = jnp.floor((carry_new + (BT - 1)) / BT)
    cuminc = _lane_cumsum8(nb).astype(jnp.int32)
    blk = lax.broadcasted_iota(jnp.int32, (NBE, E), 0)
    cb = jnp.broadcast_to(cuminc, (NBE, E))
    be = jnp.sum((blk >= cb).astype(jnp.int32), axis=-1, keepdims=True)
    be_ref[...] = jnp.minimum(be, E - 1)


def _tail_route(h0c, Wc1, bc1, Wc2, bc2, Wc3, bc3):
    return pl.pallas_call(
        _tail_body,
        grid=(B // BC,),
        in_specs=[
            pl.BlockSpec((BC, H), lambda i: (i, 0)),
            pl.BlockSpec((H, H), lambda i: (0, 0)),
            pl.BlockSpec((1, H), lambda i: (0, 0)),
            pl.BlockSpec((H, H), lambda i: (0, 0)),
            pl.BlockSpec((1, H), lambda i: (0, 0)),
            pl.BlockSpec((H, E), lambda i: (0, 0)),
            pl.BlockSpec((1, E), lambda i: (0, 0)),
        ],
        out_specs=[
            pl.BlockSpec((BC, 1), lambda i: (i, 0)),
            pl.BlockSpec((BC, 1), lambda i: (i, 0)),
            pl.BlockSpec((1, 2 * E), lambda i: (0, 0)),
            pl.BlockSpec((NBE, 1), lambda i: (0, 0)),
        ],
        out_shape=[
            jax.ShapeDtypeStruct((B, 1), jnp.int32),
            jax.ShapeDtypeStruct((B, 1), jnp.int32),
            jax.ShapeDtypeStruct((1, 2 * E), jnp.int32),
            jax.ShapeDtypeStruct((NBE, 1), jnp.int32),
        ],
        scratch_shapes=[pltpu.VMEM((1, E), jnp.float32)],
    )(h0c, Wc1, bc1.reshape(1, H), Wc2, bc2.reshape(1, H), Wc3,
      bc3.reshape(1, E))


def _sc_pos_prologue(modes_hbm, rank_hbm, counts_hbm, modes_t, rank_t, pos_t,
                     gstart_v, cnt_v, base):
    pltpu.sync_copy(modes_hbm.at[pl.ds(base, TPW)], modes_t)
    pltpu.sync_copy(rank_hbm.at[pl.ds(base, TPW)], rank_t)
    pltpu.sync_copy(counts_hbm, cnt_v)
    cnt = cnt_v[...]
    nb = (cnt + (BT - 1)) >> 9
    cum = plsc.cumsum(nb)
    gstart_v[...] = (cum - nb) << 9

    @pl.loop(0, TPW, step=16)
    def _(t):
        mv = modes_t[pl.ds(t, 16)]
        gs = plsc.load_gather(gstart_v, [mv])
        pos_t[pl.ds(t, 16)] = rank_t[pl.ds(t, 16)] + gs


CH = 16


def _dispatch(obs, modes, rank, counts):
    mesh = plsc.VectorSubcoreMesh(core_axis_name="c", subcore_axis_name="s")

    @pl.kernel(
        out_type=jax.ShapeDtypeStruct((P, D), jnp.float32),
        mesh=mesh,
        compiler_params=_SC_PARAMS,
        scratch_types=[
            pltpu.VMEM((TPW,), jnp.int32),
            pltpu.VMEM((TPW,), jnp.int32),
            pltpu.VMEM((TPW,), jnp.int32),
            pltpu.VMEM((16,), jnp.int32),
            pltpu.VMEM((16,), jnp.int32),
            pltpu.VMEM((CH, D), jnp.float32),
            pltpu.SemaphoreType.DMA,
        ],
    )
    def k(obs_hbm, modes_hbm, rank_hbm, counts_hbm, xs_hbm,
          modes_t, rank_t, pos_t, gstart_v, cnt_v, buf, sem):
        wid = lax.axis_index("s") * NC + lax.axis_index("c")
        base = wid * TPW
        _sc_pos_prologue(modes_hbm, rank_hbm, counts_hbm, modes_t, rank_t,
                         pos_t, gstart_v, cnt_v, base)

        @pl.loop(0, TPW, step=CH)
        def _(c):
            pv = pos_t[pl.ds(c, CH)]
            pltpu.sync_copy(obs_hbm.at[pl.ds(base + c, CH)], buf)
            pltpu.async_copy(buf, xs_hbm.at[pv], sem).wait()

    return k(obs, modes, rank, counts)


def _bdot(a, b):
    return jnp.dot(a.astype(jnp.bfloat16), b.astype(jnp.bfloat16),
                   preferred_element_type=jnp.float32)


def _expert_body(be_ref, x_ref, W0_ref, b0_ref, W1_ref, b1_ref, W2_ref,
                 b2_ref, W3_ref, b3_ref, y_ref):
    x = x_ref[...]
    h = jax.nn.relu(_bdot(x, W0_ref[0]) + b0_ref[0])
    h = jax.nn.relu(_bdot(h, W1_ref[0]) + b1_ref[0])
    h = jax.nn.relu(_bdot(h, W2_ref[0]) + b2_ref[0])
    y_ref[...] = _bdot(h, W3_ref[0]) + b3_ref[0]


def _experts(block_expert, x_sorted, We0, be0, We1, be1, We2, be2, We3, be3):
    grid_spec = pltpu.PrefetchScalarGridSpec(
        num_scalar_prefetch=1,
        grid=(NB,),
        in_specs=[
            pl.BlockSpec((BT, D), lambda i, be: (i, 0)),
            pl.BlockSpec((1, D, H), lambda i, be: (be[i], 0, 0)),
            pl.BlockSpec((1, 1, H), lambda i, be: (be[i], 0, 0)),
            pl.BlockSpec((1, H, H), lambda i, be: (be[i], 0, 0)),
            pl.BlockSpec((1, 1, H), lambda i, be: (be[i], 0, 0)),
            pl.BlockSpec((1, H, H), lambda i, be: (be[i], 0, 0)),
            pl.BlockSpec((1, 1, H), lambda i, be: (be[i], 0, 0)),
            pl.BlockSpec((1, H, NX), lambda i, be: (be[i], 0, 0)),
            pl.BlockSpec((1, 1, NX), lambda i, be: (be[i], 0, 0)),
        ],
        out_specs=pl.BlockSpec((BT, NX), lambda i, be: (i, 0)),
    )
    return pl.pallas_call(
        _expert_body,
        grid_spec=grid_spec,
        out_shape=jax.ShapeDtypeStruct((P, NX), jnp.float32),
    )(block_expert, x_sorted, We0, be0.reshape(E, 1, H), We1,
      be1.reshape(E, 1, H), We2, be2.reshape(E, 1, H), We3,
      be3.reshape(E, 1, NX))


def _combine(y_sorted, modes, rank, counts):
    mesh = plsc.VectorSubcoreMesh(core_axis_name="c", subcore_axis_name="s")

    @pl.kernel(
        out_type=jax.ShapeDtypeStruct((B, NX), jnp.float32),
        mesh=mesh,
        compiler_params=_SC_PARAMS,
        scratch_types=[
            pltpu.VMEM((TPW,), jnp.int32),
            pltpu.VMEM((TPW,), jnp.int32),
            pltpu.VMEM((TPW,), jnp.int32),
            pltpu.VMEM((16,), jnp.int32),
            pltpu.VMEM((16,), jnp.int32),
            pltpu.VMEM((CHG, NX), jnp.float32),
            pltpu.VMEM((CHG, NX), jnp.float32),
            pltpu.SemaphoreType.DMA,
            pltpu.SemaphoreType.DMA,
        ],
    )
    def k(ys_hbm, modes_hbm, rank_hbm, counts_hbm, out_hbm,
          modes_t, rank_t, pos_t, gstart_v, cnt_v, rows_a, rows_b,
          sem_a, sem_b):
        wid = lax.axis_index("s") * NC + lax.axis_index("c")
        base = wid * TPW
        _sc_pos_prologue(modes_hbm, rank_hbm, counts_hbm, modes_t, rank_t,
                         pos_t, gstart_v, cnt_v, base)

        pltpu.async_copy(ys_hbm.at[pos_t.at[pl.ds(0, CHG)]], rows_a, sem_a)
        pltpu.async_copy(ys_hbm.at[pos_t.at[pl.ds(CHG, CHG)]], rows_b, sem_b)
        pltpu.make_async_copy(ys_hbm.at[pos_t.at[pl.ds(0, CHG)]], rows_a,
                              sem_a).wait()
        pltpu.sync_copy(rows_a, out_hbm.at[pl.ds(base, CHG)])
        pltpu.make_async_copy(ys_hbm.at[pos_t.at[pl.ds(CHG, CHG)]], rows_b,
                              sem_b).wait()
        pltpu.sync_copy(rows_b, out_hbm.at[pl.ds(base + CHG, CHG)])

    return k(y_sorted, modes, rank, counts)


def kernel(obs, Wc0, bc0, Wc1, bc1, Wc2, bc2, Wc3, bc3,
           We0, be0, We1, be1, We2, be2, We3, be3):
    h0c = jax.nn.relu(obs @ Wc0 + bc0)
    modes2, rank2, counts16, block_expert = _tail_route(
        h0c, Wc1, bc1, Wc2, bc2, Wc3, bc3)
    modes = modes2.reshape(B)
    rank = rank2.reshape(B)
    counts = counts16.reshape(2 * E)
    x_sorted = _dispatch(obs, modes, rank, counts)
    y_sorted = _experts(block_expert.reshape(NBE), x_sorted,
                        We0, be0, We1, be1, We2, be2, We3, be3)
    return _combine(y_sorted, modes, rank, counts)

# --- scband reference (transcript-rebuilt; emitter-appended) ---
"""Pipeline reference for scband-hybrid-dynamics-model-69518340653125 (READ-ONLY COPY).

The authoritative reference and input builder live on the scoring server;
editing this copy changes nothing except your own understanding.
"""

import jax, jax.numpy as jnp
import numpy as np

B, D, H, E, NX = 8192, 4096, 64, 8, 256

def setup_inputs(seed: int = 0) -> dict:
    key = jax.random.key(seed)
    ks = jax.random.split(key, 17)
    s = 0.02
    inp = {}
    inp["obs"] = jax.random.normal(ks[0], (B, D), dtype=jnp.float32)
    # ModeClassifier: Linear(D,64) + ReLU, 2 hidden Linear(64,64)+ReLU, Linear(64,n_modes)
    inp["Wc0"] = jax.random.normal(ks[1], (D, H), dtype=jnp.float32) * s
    inp["bc0"] = jnp.zeros((H,), dtype=jnp.float32)
    inp["Wc1"] = jax.random.normal(ks[2], (H, H), dtype=jnp.float32) * s
    inp["bc1"] = jnp.zeros((H,), dtype=jnp.float32)
    inp["Wc2"] = jax.random.normal(ks[3], (H, H), dtype=jnp.float32) * s
    inp["bc2"] = jnp.zeros((H,), dtype=jnp.float32)
    inp["Wc3"] = jax.random.normal(ks[4], (H, E), dtype=jnp.float32) * s
    inp["bc3"] = jnp.zeros((E,), dtype=jnp.float32)
    # E expert MLPs (MLPDynamics, hardcoded nhiddenlayers=2, nhiddenlayerdim=64):
    # Linear(D,64)+ReLU, 2x [Linear(64,64)+ReLU], Linear(64,nx)
    inp["We0"] = jax.random.normal(ks[5], (E, D, H), dtype=jnp.float32) * s
    inp["be0"] = jnp.zeros((E, H), dtype=jnp.float32)
    inp["We1"] = jax.random.normal(ks[6], (E, H, H), dtype=jnp.float32) * s
    inp["be1"] = jnp.zeros((E, H), dtype=jnp.float32)
    inp["We2"] = jax.random.normal(ks[7], (E, H, H), dtype=jnp.float32) * s
    inp["be2"] = jnp.zeros((E, H), dtype=jnp.float32)
    inp["We3"] = jax.random.normal(ks[8], (E, H, NX), dtype=jnp.float32) * s
    inp["be3"] = jnp.zeros((E, NX), dtype=jnp.float32)
    return inp

def reference(obs, Wc0, bc0, Wc1, bc1, Wc2, bc2, Wc3, bc3,
              We0, be0, We1, be1, We2, be2, We3, be3):
    # Mode classifier
    h = jax.nn.relu(obs @ Wc0 + bc0)
    h = jax.nn.relu(h @ Wc1 + bc1)
    h = jax.nn.relu(h @ Wc2 + bc2)
    logits = h @ Wc3 + bc3
    mode_probs = jax.nn.softmax(logits, axis=-1)
    predicted_modes = jnp.argmax(mode_probs, axis=-1)  # [B]
    # Run every expert densely over all tokens, then select per-token expert output
    # (mathematically identical to the masked per-expert dispatch in the torch code).
    e0 = jax.nn.relu(jnp.einsum('bd,edh->ebh', obs, We0) + be0[:, None, :])
    e1 = jax.nn.relu(jnp.einsum('ebh,ehk->ebk', e0, We1) + be1[:, None, :])
    e2 = jax.nn.relu(jnp.einsum('ebh,ehk->ebk', e1, We2) + be2[:, None, :])
    out_all = jnp.einsum('ebh,ehn->ebn', e2, We3) + be3[:, None, :]  # [E, B, NX]
    outputs = out_all[predicted_modes, jnp.arange(obs.shape[0])]  # [B, NX]
    return outputs

if __name__ == "__main__":
    import jax
    _d = setup_inputs()
    print(jax.jit(kernel)(*tuple(_d.values())))

</pallas_src>

<mosaic_0001>
#map = affine_map<(d0, d1) -> (0, 0)>
#map1 = affine_map<(d0, d1) -> (0)>
module attributes {stable_mosaic.version = 14 : i64} {
  func.func @k(%arg0: i32, %arg1: i32, %arg2: memref<12288x256xf32, #tpu.memory_space<hbm>>, %arg3: memref<8192xi32, #tpu.memory_space<hbm>>, %arg4: memref<8192xi32, #tpu.memory_space<hbm>>, %arg5: memref<16xi32, #tpu.memory_space<hbm>>, %arg6: memref<8192x256xf32, #tpu.memory_space<hbm>>, %arg7: memref<256xi32, #tpu.memory_space<vmem>>, %arg8: memref<256xi32, #tpu.memory_space<vmem>>, %arg9: memref<256xi32, #tpu.memory_space<vmem>>, %arg10: memref<16xi32, #tpu.memory_space<vmem>>, %arg11: memref<16xi32, #tpu.memory_space<vmem>>, %arg12: memref<128x256xf32, #tpu.memory_space<vmem>>, %arg13: memref<128x256xf32, #tpu.memory_space<vmem>>, %arg14: memref<!tpu.dma_semaphore, #tpu.memory_space<semaphore_mem>>, %arg15: memref<!tpu.dma_semaphore, #tpu.memory_space<semaphore_mem>>) attributes {dimension_semantics = [#tpu.dimension_semantics<core_parallel>, #tpu.dimension_semantics<subcore_parallel>], iteration_bounds = array<i64: 2, 16>, scalar_prefetch = 0 : i64, scratch_operands = 9 : i64, tpu.core_type = #tpu.core_type<sc_vector_subcore>, window_params = [{transform_indices = #map}, {transform_indices = #map1}, {transform_indices = #map1}, {transform_indices = #map1}, {transform_indices = #map}]} {
    %mul3A = arith.constant 2 : i32
    %mul3A_0 = arith.muli %arg1, %mul3A : i32
    %add3A = arith.addi %mul3A_0, %arg0 : i32
    %mul3A_1 = arith.constant 256 : i32
    %mul3A_2 = arith.muli %add3A, %mul3A_1 : i32
    "tpu.region"() ({
      %run_scoped3A = tpu.sem_alloc : memref<!tpu.dma_semaphore, #tpu.memory_space<semaphore_mem>>
      %dma_start3A_37 = tpu.memref_slice %arg3[%mul3A_2] : memref<8192xi32, #tpu.memory_space<hbm>> -> memref<256xi32, #tpu.memory_space<hbm>>
      %dma_start3A_38 = tpu.memref_slice %arg3[%mul3A_2] : memref<8192xi32, #tpu.memory_space<hbm>> -> memref<256xi32, #tpu.memory_space<hbm>>
      tpu.enqueue_dma source(%dma_start3A_38 : memref<256xi32, #tpu.memory_space<hbm>>) target(%arg7 : memref<256xi32, #tpu.memory_space<vmem>>) target_semaphore(%run_scoped3A : memref<!tpu.dma_semaphore, #tpu.memory_space<semaphore_mem>>)
      %dma_wait3A_39 = tpu.memref_slice %arg3[%mul3A_2] : memref<8192xi32, #tpu.memory_space<hbm>> -> memref<256xi32, #tpu.memory_space<hbm>>
      %dma_wait3A_40 = tpu.memref_slice %arg3[%mul3A_2] : memref<8192xi32, #tpu.memory_space<hbm>> -> memref<256xi32, #tpu.memory_space<hbm>>
      tpu.wait_dma2 semaphore(%run_scoped3A : memref<!tpu.dma_semaphore, #tpu.memory_space<semaphore_mem>>) src(%dma_wait3A_40 : memref<256xi32, #tpu.memory_space<hbm>>) dst(%arg7 : memref<256xi32, #tpu.memory_space<vmem>>)
      tpu.yield
    }) : () -> ()
    "tpu.region"() ({
      %run_scoped3A = tpu.sem_alloc : memref<!tpu.dma_semaphore, #tpu.memory_space<semaphore_mem>>
      %dma_start3A_37 = tpu.memref_slice %arg4[%mul3A_2] : memref<8192xi32, #tpu.memory_space<hbm>> -> memref<256xi32, #tpu.memory_space<hbm>>
      %dma_start3A_38 = tpu.memref_slice %arg4[%mul3A_2] : memref<8192xi32, #tpu.memory_space<hbm>> -> memref<256xi32, #tpu.memory_space<hbm>>
      tpu.enqueue_dma source(%dma_start3A_38 : memref<256xi32, #tpu.memory_space<hbm>>) target(%arg8 : memref<256xi32, #tpu.memory_space<vmem>>) target_semaphore(%run_scoped3A : memref<!tpu.dma_semaphore, #tpu.memory_space<semaphore_mem>>)
      %dma_wait3A_39 = tpu.memref_slice %arg4[%mul3A_2] : memref<8192xi32, #tpu.memory_space<hbm>> -> memref<256xi32, #tpu.memory_space<hbm>>
      %dma_wait3A_40 = tpu.memref_slice %arg4[%mul3A_2] : memref<8192xi32, #tpu.memory_space<hbm>> -> memref<256xi32, #tpu.memory_space<hbm>>
      tpu.wait_dma2 semaphore(%run_scoped3A : memref<!tpu.dma_semaphore, #tpu.memory_space<semaphore_mem>>) src(%dma_wait3A_40 : memref<256xi32, #tpu.memory_space<hbm>>) dst(%arg8 : memref<256xi32, #tpu.memory_space<vmem>>)
      tpu.yield
    }) : () -> ()
    "tpu.region"() ({
      %run_scoped3A = tpu.sem_alloc : memref<!tpu.dma_semaphore, #tpu.memory_space<semaphore_mem>>
      tpu.enqueue_dma source(%arg5 : memref<16xi32, #tpu.memory_space<hbm>>) target(%arg11 : memref<16xi32, #tpu.memory_space<vmem>>) target_semaphore(%run_scoped3A : memref<!tpu.dma_semaphore, #tpu.memory_space<semaphore_mem>>)
      tpu.wait_dma2 semaphore(%run_scoped3A : memref<!tpu.dma_semaphore, #tpu.memory_space<semaphore_mem>>) src(%arg5 : memref<16xi32, #tpu.memory_space<hbm>>) dst(%arg11 : memref<16xi32, #tpu.memory_space<vmem>>)
      tpu.yield
    }) : () -> ()
    %get3A = arith.constant 0 : index
    %get3A_3 = tpu.vector_load %arg11[%get3A] {strides = array<i32>} : memref<16xi32, #tpu.memory_space<vmem>>, vector<16xi32>,
    %add3A_4 = arith.constant 511 : i32
    %add3A_5 = vector.broadcast %add3A_4 : i32 to vector<16xi32>
    %add3A_6 = arith.addi %get3A_3, %add3A_5 : vector<16xi32>
    %shift_right_arithmetic3A = arith.constant 9 : i32
    %shift_right_arithmetic3A_7 = vector.broadcast %shift_right_arithmetic3A : i32 to vector<16xi32>
    %shift_right_arithmetic3A_8 = arith.shrsi %add3A_6, %shift_right_arithmetic3A_7 : vector<16xi32>
    %broadcast_in_dim3A = arith.constant true
    %broadcast_in_dim3A_9 = vector.broadcast %broadcast_in_dim3A : i1 to vector<16xi1>
    %masked_cumsum3A = tpu.scan <sum>, %shift_right_arithmetic3A_8 masked %broadcast_in_dim3A_9 : vector<16xi32>, vector<16xi1> -> vector<16xi32>
    %sub3A = arith.subi %masked_cumsum3A, %shift_right_arithmetic3A_8 : vector<16xi32>
    %shift_left3A = arith.constant 9 : i32
    %shift_left3A_10 = vector.broadcast %shift_left3A : i32 to vector<16xi32>
    %shift_left3A_11 = arith.shli %sub3A, %shift_left3A_10 : vector<16xi32>
    %swap3A = arith.constant 0 : index
    %swap3A_12 = tpu.vector_load %arg10[%swap3A] {strides = array<i32>} : memref<16xi32, #tpu.memory_space<vmem>>, vector<16xi32>,
    tpu.vector_store %arg10[%swap3A], %shift_left3A_11 {strides = array<i32>} : memref<16xi32, #tpu.memory_space<vmem>>, vector<16xi32>,
    %scan3A = arith.constant 0 : i32
    %scan3A_13 = arith.constant 16 : i32
    %scan3A_14 = arith.addi %scan3A, %scan3A_13 : i32
    %scan3A_15 = arith.constant 1 : i32
    scf.for %scan3A_37 = %scan3A to %scan3A_14 step %scan3A_15  : i32 {
      %mul3A_38 = arith.constant 16 : i32
      %mul3A_39 = arith.muli %scan3A_37, %mul3A_38 : i32
      %add3A_40 = arith.constant 0 : i32
      %add3A_41 = arith.addi %add3A_40, %mul3A_39 : i32
      %get3A_42 = arith.index_cast %add3A_41 : i32 to index
      %get3A_43 = tpu.vector_load %arg7[%get3A_42] {strides = array<i32>} : memref<256xi32, #tpu.memory_space<vmem>>, vector<16xi32>,
      %gather3A = tpu.vector_load_idx %arg10[%get3A_43] : memref<16xi32, #tpu.memory_space<vmem>>[vector<16xi32>], vector<16xi32>,
      %get3A_44 = arith.index_cast %add3A_41 : i32 to index
      %get3A_45 = tpu.vector_load %arg8[%get3A_44] {strides = array<i32>} : memref<256xi32, #tpu.memory_space<vmem>>, vector<16xi32>,
      %add3A_46 = arith.addi %get3A_45, %gather3A : vector<16xi32>
      %swap3A_47 = arith.index_cast %add3A_41 : i32 to index
      %swap3A_48 = tpu.vector_load %arg9[%swap3A_47] {strides = array<i32>} : memref<256xi32, #tpu.memory_space<vmem>>, vector<16xi32>,
      tpu.vector_store %arg9[%swap3A_47], %add3A_46 {strides = array<i32>} : memref<256xi32, #tpu.memory_space<vmem>>, vector<16xi32>,
    }
    %scan3A_16 = arith.constant 16 : i32
    %dma_start3A = arith.constant 0 : i32
    %dma_start3A_17 = tpu.memref_slice %arg9[%dma_start3A] : memref<256xi32, #tpu.memory_space<vmem>> -> memref<128xi32, #tpu.memory_space<vmem>>
    %dma_start3A_18 = arith.constant 0 : i32
    %dma_start3A_19 = arith.constant 0 : i32
    %dma_start3A_20 = tpu.memref_slice %arg2[%dma_start3A_18, %dma_start3A_19] : memref<12288x256xf32, #tpu.memory_space<hbm>> -> memref<12288x256xf32, #tpu.memory_space<hbm>>
    tpu.enqueue_indirect_dma source(%dma_start3A_20 : memref<12288x256xf32, #tpu.memory_space<hbm>>) target(%arg12 : memref<128x256xf32, #tpu.memory_space<vmem>>) offsets(%dma_start3A_17 : memref<128xi32, #tpu.memory_space<vmem>>) semaphore(%arg14 : memref<!tpu.dma_semaphore, #tpu.memory_space<semaphore_mem>>)
    %dma_start3A_21 = arith.constant 128 : i32
    %dma_start3A_22 = tpu.memref_slice %arg9[%dma_start3A_21] : memref<256xi32, #tpu.memory_space<vmem>> -> memref<128xi32, #tpu.memory_space<vmem>>
    %dma_start3A_23 = arith.constant 0 : i32
    %dma_start3A_24 = arith.constant 0 : i32
    %dma_start3A_25 = tpu.memref_slice %arg2[%dma_start3A_23, %dma_start3A_24] : memref<12288x256xf32, #tpu.memory_space<hbm>> -> memref<12288x256xf32, #tpu.memory_space<hbm>>
    tpu.enqueue_indirect_dma source(%dma_start3A_25 : memref<12288x256xf32, #tpu.memory_space<hbm>>) target(%arg13 : memref<128x256xf32, #tpu.memory_space<vmem>>) offsets(%dma_start3A_22 : memref<128xi32, #tpu.memory_space<vmem>>) semaphore(%arg15 : memref<!tpu.dma_semaphore, #tpu.memory_space<semaphore_mem>>)
    %dma_wait3A = arith.constant 0 : i32
    %dma_wait3A_26 = tpu.memref_slice %arg9[%dma_wait3A] : memref<256xi32, #tpu.memory_space<vmem>> -> memref<128xi32, #tpu.memory_space<vmem>>
    %dma_wait3A_27 = arith.constant 0 : i32
    %dma_wait3A_28 = arith.constant 0 : i32
    %dma_wait3A_29 = tpu.memref_slice %arg2[%dma_wait3A_27, %dma_wait3A_28] : memref<12288x256xf32, #tpu.memory_space<hbm>> -> memref<12288x256xf32, #tpu.memory_space<hbm>>
    tpu.wait_indirect_dma semaphore(%arg14 : memref<!tpu.dma_semaphore, #tpu.memory_space<semaphore_mem>>) src(%dma_wait3A_29 : memref<12288x256xf32, #tpu.memory_space<hbm>>) dst(%arg12 : memref<128x256xf32, #tpu.memory_space<vmem>>)
    "tpu.region"() ({
      %run_scoped3A = tpu.sem_alloc : memref<!tpu.dma_semaphore, #tpu.memory_space<semaphore_mem>>
      %dma_start3A_37 = arith.constant 0 : i32
      %dma_start3A_38 = tpu.memref_slice %arg6[%mul3A_2, %dma_start3A_37] : memref<8192x256xf32, #tpu.memory_space<hbm>> -> memref<128x256xf32, #tpu.memory_space<hbm>>
      %dma_start3A_39 = arith.constant 0 : i32
      %dma_start3A_40 = tpu.memref_slice %arg6[%mul3A_2, %dma_start3A_39] : memref<8192x256xf32, #tpu.memory_space<hbm>> -> memref<128x256xf32, #tpu.memory_space<hbm>>
      tpu.enqueue_dma source(%arg12 : memref<128x256xf32, #tpu.memory_space<vmem>>) target(%dma_start3A_40 : memref<128x256xf32, #tpu.memory_space<hbm>>) target_semaphore(%run_scoped3A : memref<!tpu.dma_semaphore, #tpu.memory_space<semaphore_mem>>)
      %dma_wait3A_41 = arith.constant 0 : i32
      %dma_wait3A_42 = tpu.memref_slice %arg6[%mul3A_2, %dma_wait3A_41] : memref<8192x256xf32, #tpu.memory_space<hbm>> -> memref<128x256xf32, #tpu.memory_space<hbm>>
      %dma_wait3A_43 = arith.constant 0 : i32
      %dma_wait3A_44 = tpu.memref_slice %arg6[%mul3A_2, %dma_wait3A_43] : memref<8192x256xf32, #tpu.memory_space<hbm>> -> memref<128x256xf32, #tpu.memory_space<hbm>>
      tpu.wait_dma2 semaphore(%run_scoped3A : memref<!tpu.dma_semaphore, #tpu.memory_space<semaphore_mem>>) src(%arg12 : memref<128x256xf32, #tpu.memory_space<vmem>>) dst(%dma_wait3A_44 : memref<128x256xf32, #tpu.memory_space<hbm>>)
      tpu.yield
    }) : () -> ()
    %dma_wait3A_30 = arith.constant 128 : i32
    %dma_wait3A_31 = tpu.memref_slice %arg9[%dma_wait3A_30] : memref<256xi32, #tpu.memory_space<vmem>> -> memref<128xi32, #tpu.memory_space<vmem>>
    %dma_wait3A_32 = arith.constant 0 : i32
    %dma_wait3A_33 = arith.constant 0 : i32
    %dma_wait3A_34 = tpu.memref_slice %arg2[%dma_wait3A_32, %dma_wait3A_33] : memref<12288x256xf32, #tpu.memory_space<hbm>> -> memref<12288x256xf32, #tpu.memory_space<hbm>>
    tpu.wait_indirect_dma semaphore(%arg15 : memref<!tpu.dma_semaphore, #tpu.memory_space<semaphore_mem>>) src(%dma_wait3A_34 : memref<12288x256xf32, #tpu.memory_space<hbm>>) dst(%arg13 : memref<128x256xf32, #tpu.memory_space<vmem>>)
    %add3A_35 = arith.constant 128 : i32
    %add3A_36 = arith.addi %mul3A_2, %add3A_35 : i32
    "tpu.region"() ({
      %run_scoped3A = tpu.sem_alloc : memref<!tpu.dma_semaphore, #tpu.memory_space<semaphore_mem>>
      %dma_start3A_37 = arith.constant 0 : i32
      %dma_start3A_38 = tpu.memref_slice %arg6[%add3A_36, %dma_start3A_37] : memref<8192x256xf32, #tpu.memory_space<hbm>> -> memref<128x256xf32, #tpu.memory_space<hbm>>
      %dma_start3A_39 = arith.constant 0 : i32
      %dma_start3A_40 = tpu.memref_slice %arg6[%add3A_36, %dma_start3A_39] : memref<8192x256xf32, #tpu.memory_space<hbm>> -> memref<128x256xf32, #tpu.memory_space<hbm>>
      tpu.enqueue_dma source(%arg13 : memref<128x256xf32, #tpu.memory_space<vmem>>) target(%dma_start3A_40 : memref<128x256xf32, #tpu.memory_space<hbm>>) target_semaphore(%run_scoped3A : memref<!tpu.dma_semaphore, #tpu.memory_space<semaphore_mem>>)
      %dma_wait3A_41 = arith.constant 0 : i32
      %dma_wait3A_42 = tpu.memref_slice %arg6[%add3A_36, %dma_wait3A_41] : memref<8192x256xf32, #tpu.memory_space<hbm>> -> memref<128x256xf32, #tpu.memory_space<hbm>>
      %dma_wait3A_43 = arith.constant 0 : i32
      %dma_wait3A_44 = tpu.memref_slice %arg6[%add3A_36, %dma_wait3A_43] : memref<8192x256xf32, #tpu.memory_space<hbm>> -> memref<128x256xf32, #tpu.memory_space<hbm>>
      tpu.wait_dma2 semaphore(%run_scoped3A : memref<!tpu.dma_semaphore, #tpu.memory_space<semaphore_mem>>) src(%arg13 : memref<128x256xf32, #tpu.memory_space<vmem>>) dst(%dma_wait3A_44 : memref<128x256xf32, #tpu.memory_space<hbm>>)
      tpu.yield
    }) : () -> ()
    return
  }
}

#map = affine_map<(d0, d1) -> (0, 0)>
#map1 = affine_map<(d0, d1) -> (0)>
module attributes {stable_mosaic.version = 14 : i64} {
  func.func @k(%arg0: i32, %arg1: i32, %arg2: memref<8192x4096xf32, #tpu.memory_space<hbm>>, %arg3: memref<8192xi32, #tpu.memory_space<hbm>>, %arg4: memref<8192xi32, #tpu.memory_space<hbm>>, %arg5: memref<16xi32, #tpu.memory_space<hbm>>, %arg6: memref<12288x4096xf32, #tpu.memory_space<hbm>>, %arg7: memref<256xi32, #tpu.memory_space<vmem>>, %arg8: memref<256xi32, #tpu.memory_space<vmem>>, %arg9: memref<256xi32, #tpu.memory_space<vmem>>, %arg10: memref<16xi32, #tpu.memory_space<vmem>>, %arg11: memref<16xi32, #tpu.memory_space<vmem>>, %arg12: memref<16x4096xf32, #tpu.memory_space<vmem>>, %arg13: memref<!tpu.dma_semaphore, #tpu.memory_space<semaphore_mem>>) attributes {dimension_semantics = [#tpu.dimension_semantics<core_parallel>, #tpu.dimension_semantics<subcore_parallel>], iteration_bounds = array<i64: 2, 16>, scalar_prefetch = 0 : i64, scratch_operands = 7 : i64, tpu.core_type = #tpu.core_type<sc_vector_subcore>, window_params = [{transform_indices = #map}, {transform_indices = #map1}, {transform_indices = #map1}, {transform_indices = #map1}, {transform_indices = #map}]} {
    %mul3A = arith.constant 2 : i32
    %mul3A_0 = arith.muli %arg1, %mul3A : i32
    %add3A = arith.addi %mul3A_0, %arg0 : i32
    %mul3A_1 = arith.constant 256 : i32
    %mul3A_2 = arith.muli %add3A, %mul3A_1 : i32
    "tpu.region"() ({
      %run_scoped3A = tpu.sem_alloc : memref<!tpu.dma_semaphore, #tpu.memory_space<semaphore_mem>>
      %dma_start3A = tpu.memref_slice %arg3[%mul3A_2] : memref<8192xi32, #tpu.memory_space<hbm>> -> memref<256xi32, #tpu.memory_space<hbm>>
      %dma_start3A_22 = tpu.memref_slice %arg3[%mul3A_2] : memref<8192xi32, #tpu.memory_space<hbm>> -> memref<256xi32, #tpu.memory_space<hbm>>
      tpu.enqueue_dma source(%dma_start3A_22 : memref<256xi32, #tpu.memory_space<hbm>>) target(%arg7 : memref<256xi32, #tpu.memory_space<vmem>>) target_semaphore(%run_scoped3A : memref<!tpu.dma_semaphore, #tpu.memory_space<semaphore_mem>>)
      %dma_wait3A = tpu.memref_slice %arg3[%mul3A_2] : memref<8192xi32, #tpu.memory_space<hbm>> -> memref<256xi32, #tpu.memory_space<hbm>>
      %dma_wait3A_23 = tpu.memref_slice %arg3[%mul3A_2] : memref<8192xi32, #tpu.memory_space<hbm>> -> memref<256xi32, #tpu.memory_space<hbm>>
      tpu.wait_dma2 semaphore(%run_scoped3A : memref<!tpu.dma_semaphore, #tpu.memory_space<semaphore_mem>>) src(%dma_wait3A_23 : memref<256xi32, #tpu.memory_space<hbm>>) dst(%arg7 : memref<256xi32, #tpu.memory_space<vmem>>)
      tpu.yield
    }) : () -> ()
    "tpu.region"() ({
      %run_scoped3A = tpu.sem_alloc : memref<!tpu.dma_semaphore, #tpu.memory_space<semaphore_mem>>
      %dma_start3A = tpu.memref_slice %arg4[%mul3A_2] : memref<8192xi32, #tpu.memory_space<hbm>> -> memref<256xi32, #tpu.memory_space<hbm>>
      %dma_start3A_22 = tpu.memref_slice %arg4[%mul3A_2] : memref<8192xi32, #tpu.memory_space<hbm>> -> memref<256xi32, #tpu.memory_space<hbm>>
      tpu.enqueue_dma source(%dma_start3A_22 : memref<256xi32, #tpu.memory_space<hbm>>) target(%arg8 : memref<256xi32, #tpu.memory_space<vmem>>) target_semaphore(%run_scoped3A : memref<!tpu.dma_semaphore, #tpu.memory_space<semaphore_mem>>)
      %dma_wait3A = tpu.memref_slice %arg4[%mul3A_2] : memref<8192xi32, #tpu.memory_space<hbm>> -> memref<256xi32, #tpu.memory_space<hbm>>
      %dma_wait3A_23 = tpu.memref_slice %arg4[%mul3A_2] : memref<8192xi32, #tpu.memory_space<hbm>> -> memref<256xi32, #tpu.memory_space<hbm>>
      tpu.wait_dma2 semaphore(%run_scoped3A : memref<!tpu.dma_semaphore, #tpu.memory_space<semaphore_mem>>) src(%dma_wait3A_23 : memref<256xi32, #tpu.memory_space<hbm>>) dst(%arg8 : memref<256xi32, #tpu.memory_space<vmem>>)
      tpu.yield
    }) : () -> ()
    "tpu.region"() ({
      %run_scoped3A = tpu.sem_alloc : memref<!tpu.dma_semaphore, #tpu.memory_space<semaphore_mem>>
      tpu.enqueue_dma source(%arg5 : memref<16xi32, #tpu.memory_space<hbm>>) target(%arg11 : memref<16xi32, #tpu.memory_space<vmem>>) target_semaphore(%run_scoped3A : memref<!tpu.dma_semaphore, #tpu.memory_space<semaphore_mem>>)
      tpu.wait_dma2 semaphore(%run_scoped3A : memref<!tpu.dma_semaphore, #tpu.memory_space<semaphore_mem>>) src(%arg5 : memref<16xi32, #tpu.memory_space<hbm>>) dst(%arg11 : memref<16xi32, #tpu.memory_space<vmem>>)
      tpu.yield
    }) : () -> ()
    %get3A = arith.constant 0 : index
    %get3A_3 = tpu.vector_load %arg11[%get3A] {strides = array<i32>} : memref<16xi32, #tpu.memory_space<vmem>>, vector<16xi32>,
    %add3A_4 = arith.constant 511 : i32
    %add3A_5 = vector.broadcast %add3A_4 : i32 to vector<16xi32>
    %add3A_6 = arith.addi %get3A_3, %add3A_5 : vector<16xi32>
    %shift_right_arithmetic3A = arith.constant 9 : i32
    %shift_right_arithmetic3A_7 = vector.broadcast %shift_right_arithmetic3A : i32 to vector<16xi32>
    %shift_right_arithmetic3A_8 = arith.shrsi %add3A_6, %shift_right_arithmetic3A_7 : vector<16xi32>
    %broadcast_in_dim3A = arith.constant true
    %broadcast_in_dim3A_9 = vector.broadcast %broadcast_in_dim3A : i1 to vector<16xi1>
    %masked_cumsum3A = tpu.scan <sum>, %shift_right_arithmetic3A_8 masked %broadcast_in_dim3A_9 : vector<16xi32>, vector<16xi1> -> vector<16xi32>
    %sub3A = arith.subi %masked_cumsum3A, %shift_right_arithmetic3A_8 : vector<16xi32>
    %shift_left3A = arith.constant 9 : i32
    %shift_left3A_10 = vector.broadcast %shift_left3A : i32 to vector<16xi32>
    %shift_left3A_11 = arith.shli %sub3A, %shift_left3A_10 : vector<16xi32>
    %swap3A = arith.constant 0 : index
    %swap3A_12 = tpu.vector_load %arg10[%swap3A] {strides = array<i32>} : memref<16xi32, #tpu.memory_space<vmem>>, vector<16xi32>,
    tpu.vector_store %arg10[%swap3A], %shift_left3A_11 {strides = array<i32>} : memref<16xi32, #tpu.memory_space<vmem>>, vector<16xi32>,
    %scan3A = arith.constant 0 : i32
    %scan3A_13 = arith.constant 16 : i32
    %scan3A_14 = arith.addi %scan3A, %scan3A_13 : i32
    %scan3A_15 = arith.constant 1 : i32
    scf.for %scan3A_22 = %scan3A to %scan3A_14 step %scan3A_15  : i32 {
      %mul3A_23 = arith.constant 16 : i32
      %mul3A_24 = arith.muli %scan3A_22, %mul3A_23 : i32
      %add3A_25 = arith.constant 0 : i32
      %add3A_26 = arith.addi %add3A_25, %mul3A_24 : i32
      %get3A_27 = arith.index_cast %add3A_26 : i32 to index
      %get3A_28 = tpu.vector_load %arg7[%get3A_27] {strides = array<i32>} : memref<256xi32, #tpu.memory_space<vmem>>, vector<16xi32>,
      %gather3A = tpu.vector_load_idx %arg10[%get3A_28] : memref<16xi32, #tpu.memory_space<vmem>>[vector<16xi32>], vector<16xi32>,
      %get3A_29 = arith.index_cast %add3A_26 : i32 to index
      %get3A_30 = tpu.vector_load %arg8[%get3A_29] {strides = array<i32>} : memref<256xi32, #tpu.memory_space<vmem>>, vector<16xi32>,
      %add3A_31 = arith.addi %get3A_30, %gather3A : vector<16xi32>
      %swap3A_32 = arith.index_cast %add3A_26 : i32 to index
      %swap3A_33 = tpu.vector_load %arg9[%swap3A_32] {strides = array<i32>} : memref<256xi32, #tpu.memory_space<vmem>>, vector<16xi32>,
      tpu.vector_store %arg9[%swap3A_32], %add3A_31 {strides = array<i32>} : memref<256xi32, #tpu.memory_space<vmem>>, vector<16xi32>,
    }
    %scan3A_16 = arith.constant 16 : i32
    %scan3A_17 = arith.constant 0 : i32
    %scan3A_18 = arith.constant 16 : i32
    %scan3A_19 = arith.addi %scan3A_17, %scan3A_18 : i32
    %scan3A_20 = arith.constant 1 : i32
    scf.for %scan3A_22 = %scan3A_17 to %scan3A_19 step %scan3A_20  : i32 {
      %mul3A_23 = arith.constant 16 : i32
      %mul3A_24 = arith.muli %scan3A_22, %mul3A_23 : i32
      %add3A_25 = arith.constant 0 : i32
      %add3A_26 = arith.addi %add3A_25, %mul3A_24 : i32
      %get3A_27 = arith.index_cast %add3A_26 : i32 to index
      %get3A_28 = tpu.vector_load %arg9[%get3A_27] {strides = array<i32>} : memref<256xi32, #tpu.memory_space<vmem>>, vector<16xi32>,
      %add3A_29 = arith.addi %mul3A_2, %add3A_26 : i32
      "tpu.region"() ({
        %run_scoped3A = tpu.sem_alloc : memref<!tpu.dma_semaphore, #tpu.memory_space<semaphore_mem>>
        %dma_start3A_34 = arith.constant 0 : i32
        %dma_start3A_35 = tpu.memref_slice %arg2[%add3A_29, %dma_start3A_34] : memref<8192x4096xf32, #tpu.memory_space<hbm>> -> memref<16x4096xf32, #tpu.memory_space<hbm>>
        %dma_start3A_36 = arith.constant 0 : i32
        %dma_start3A_37 = tpu.memref_slice %arg2[%add3A_29, %dma_start3A_36] : memref<8192x4096xf32, #tpu.memory_space<hbm>> -> memref<16x4096xf32, #tpu.memory_space<hbm>>
        tpu.enqueue_dma source(%dma_start3A_37 : memref<16x4096xf32, #tpu.memory_space<hbm>>) target(%arg12 : memref<16x4096xf32, #tpu.memory_space<vmem>>) target_semaphore(%run_scoped3A : memref<!tpu.dma_semaphore, #tpu.memory_space<semaphore_mem>>)
        %dma_wait3A_38 = arith.constant 0 : i32
        %dma_wait3A_39 = tpu.memref_slice %arg2[%add3A_29, %dma_wait3A_38] : memref<8192x4096xf32, #tpu.memory_space<hbm>> -> memref<16x4096xf32, #tpu.memory_space<hbm>>
        %dma_wait3A_40 = arith.constant 0 : i32
        %dma_wait3A_41 = tpu.memref_slice %arg2[%add3A_29, %dma_wait3A_40] : memref<8192x4096xf32, #tpu.memory_space<hbm>> -> memref<16x4096xf32, #tpu.memory_space<hbm>>
        tpu.wait_dma2 semaphore(%run_scoped3A : memref<!tpu.dma_semaphore, #tpu.memory_space<semaphore_mem>>) src(%dma_wait3A_41 : memref<16x4096xf32, #tpu.memory_space<hbm>>) dst(%arg12 : memref<16x4096xf32, #tpu.memory_space<vmem>>)
        tpu.yield
      }) : () -> ()
      %dma_start3A = arith.constant 0 : i32
      %dma_start3A_30 = arith.constant 0 : i32
      %dma_start3A_31 = tpu.memref_slice %arg6[%dma_start3A, %dma_start3A_30] : memref<12288x4096xf32, #tpu.memory_space<hbm>> -> memref<12288x4096xf32, #tpu.memory_space<hbm>>
      tpu.enqueue_indirect_dma source(%arg12 : memref<16x4096xf32, #tpu.memory_space<vmem>>) target(%dma_start3A_31 : memref<12288x4096xf32, #tpu.memory_space<hbm>>) offsets(%get3A_28 : vector<16xi32>) semaphore(%arg13 : memref<!tpu.dma_semaphore, #tpu.memory_space<semaphore_mem>>)
      %dma_wait3A = arith.constant 0 : i32
      %dma_wait3A_32 = arith.constant 0 : i32
      %dma_wait3A_33 = tpu.memref_slice %arg6[%dma_wait3A, %dma_wait3A_32] : memref<12288x4096xf32, #tpu.memory_space<hbm>> -> memref<12288x4096xf32, #tpu.memory_space<hbm>>
      tpu.wait_indirect_dma semaphore(%arg13 : memref<!tpu.dma_semaphore, #tpu.memory_space<semaphore_mem>>) src(%arg12 : memref<16x4096xf32, #tpu.memory_space<vmem>>) dst(%dma_wait3A_33 : memref<12288x4096xf32, #tpu.memory_space<hbm>>)
    }
    %scan3A_21 = arith.constant 16 : i32
    return
  }
}

module attributes {stable_mosaic.version = 14 : i64} {
  func.func @_tail_body(%arg0: i32, %arg1: memref<512x64xf32, #tpu.memory_space<vmem>>, %arg2: memref<64x64xf32, #tpu.memory_space<vmem>>, %arg3: memref<1x64xf32, #tpu.memory_space<vmem>>, %arg4: memref<64x64xf32, #tpu.memory_space<vmem>>, %arg5: memref<1x64xf32, #tpu.memory_space<vmem>>, %arg6: memref<64x8xf32, #tpu.memory_space<vmem>>, %arg7: memref<1x8xf32, #tpu.memory_space<vmem>>, %arg8: memref<512x1xi32, #tpu.memory_space<vmem>>, %arg9: memref<512x1xi32, #tpu.memory_space<vmem>>, %arg10: memref<1x16xi32, #tpu.memory_space<vmem>>, %arg11: memref<128x1xi32, #tpu.memory_space<vmem>>, %arg12: memref<1x8xf32, #tpu.memory_space<vmem>>) attributes {dimension_semantics = [#tpu.dimension_semantics<arbitrary>], iteration_bounds = array<i64: 16>, scalar_prefetch = 0 : i64, scratch_operands = 1 : i64, tpu.core_type = #tpu.core_type<tc>, window_params = [{transform_indices = @transform_0, window_bounds = array<i64: 512, 64>}, {pipeline_mode = #tpu.pipeline_mode<synchronous>, transform_indices = @transform_1, window_bounds = array<i64: 64, 64>}, {pipeline_mode = #tpu.pipeline_mode<synchronous>, transform_indices = @transform_2, window_bounds = array<i64: 1, 64>}, {pipeline_mode = #tpu.pipeline_mode<synchronous>, transform_indices = @transform_3, window_bounds = array<i64: 64, 64>}, {pipeline_mode = #tpu.pipeline_mode<synchronous>, transform_indices = @transform_4, window_bounds = array<i64: 1, 64>}, {pipeline_mode = #tpu.pipeline_mode<synchronous>, transform_indices = @transform_5, window_bounds = array<i64: 64, 8>}, {pipeline_mode = #tpu.pipeline_mode<synchronous>, transform_indices = @transform_6, window_bounds = array<i64: 1, 8>}, {transform_indices = @transform_7, window_bounds = array<i64: 512, 1>}, {transform_indices = @transform_8, window_bounds = array<i64: 512, 1>}, {pipeline_mode = #tpu.pipeline_mode<synchronous>, transform_indices = @transform_9, window_bounds = array<i64: 1, 16>}, {pipeline_mode = #tpu.pipeline_mode<synchronous>, transform_indices = @transform_10, window_bounds = array<i64: 128, 1>}]} {
    %get3A = arith.constant 0 : index
    %get3A_0 = arith.constant 0 : index
    %get3A_1 = vector.load %arg1[%get3A, %get3A_0] : memref<512x64xf32, #tpu.memory_space<vmem>>, vector<512x64xf32>
    %get3A_2 = arith.constant 0 : index
    %get3A_3 = arith.constant 0 : index
    %get3A_4 = vector.load %arg2[%get3A_2, %get3A_3] : memref<64x64xf32, #tpu.memory_space<vmem>>, vector<64x64xf32>
    %dot_general3A = arith.constant dense<0.000000e+00> : vector<512x64xf32>
    %dot_general3A_5 = tpu.matmul %get3A_1, %get3A_4, %dot_general3A {dimension_numbers = #tpu.dot_dimension_numbers<[1], [0], [0], [1], [0, 0, 1, 1], [], []>, transpose_lhs_hint = false} : vector<512x64xf32>, vector<64x64xf32>, vector<512x64xf32> -> vector<512x64xf32>
    %get3A_6 = arith.constant 0 : index
    %get3A_7 = arith.constant 0 : index
    %get3A_8 = vector.load %arg3[%get3A_6, %get3A_7] : memref<1x64xf32, #tpu.memory_space<vmem>>, vector<1x64xf32>
    %add3A = vector.broadcast %get3A_8 : vector<1x64xf32> to vector<512x64xf32>
    %add3A_9 = arith.addf %dot_general3A_5, %add3A : vector<512x64xf32>
    %max3A = arith.constant 0.000000e+00 : f32
    %max3A_10 = vector.broadcast %max3A : f32 to vector<512x64xf32>
    %max3A_11 = arith.maximumf %add3A_9, %max3A_10 : vector<512x64xf32>
    %get3A_12 = arith.constant 0 : index
    %get3A_13 = arith.constant 0 : index
    %get3A_14 = vector.load %arg4[%get3A_12, %get3A_13] : memref<64x64xf32, #tpu.memory_space<vmem>>, vector<64x64xf32>
    %dot_general3A_15 = arith.constant dense<0.000000e+00> : vector<512x64xf32>
    %dot_general3A_16 = tpu.matmul %max3A_11, %get3A_14, %dot_general3A_15 {dimension_numbers = #tpu.dot_dimension_numbers<[1], [0], [0], [1], [0, 0, 1, 1], [], []>, transpose_lhs_hint = false} : vector<512x64xf32>, vector<64x64xf32>, vector<512x64xf32> -> vector<512x64xf32>
    %get3A_17 = arith.constant 0 : index
    %get3A_18 = arith.constant 0 : index
    %get3A_19 = vector.load %arg5[%get3A_17, %get3A_18] : memref<1x64xf32, #tpu.memory_space<vmem>>, vector<1x64xf32>
    %add3A_20 = vector.broadcast %get3A_19 : vector<1x64xf32> to vector<512x64xf32>
    %add3A_21 = arith.addf %dot_general3A_16, %add3A_20 : vector<512x64xf32>
    %max3A_22 = arith.constant 0.000000e+00 : f32
    %max3A_23 = vector.broadcast %max3A_22 : f32 to vector<512x64xf32>
    %max3A_24 = arith.maximumf %add3A_21, %max3A_23 : vector<512x64xf32>
    %get3A_25 = arith.constant 0 : index
    %get3A_26 = arith.constant 0 : index
    %get3A_27 = vector.load %arg6[%get3A_25, %get3A_26] : memref<64x8xf32, #tpu.memory_space<vmem>>, vector<64x8xf32>
    %dot_general3A_28 = arith.constant dense<0.000000e+00> : vector<512x8xf32>
    %dot_general3A_29 = tpu.matmul %max3A_24, %get3A_27, %dot_general3A_28 {dimension_numbers = #tpu.dot_dimension_numbers<[1], [0], [0], [1], [0, 0, 1, 1], [], []>, transpose_lhs_hint = false} : vector<512x64xf32>, vector<64x8xf32>, vector<512x8xf32> -> vector<512x8xf32>
    %get3A_30 = arith.constant 0 : index
    %get3A_31 = arith.constant 0 : index
    %get3A_32 = vector.load %arg7[%get3A_30, %get3A_31] : memref<1x8xf32, #tpu.memory_space<vmem>>, vector<1x8xf32>
    %add3A_33 = vector.broadcast %get3A_32 : vector<1x8xf32> to vector<512x8xf32>
    %add3A_34 = arith.addf %dot_general3A_29, %add3A_33 : vector<512x8xf32>
    %reduce_max3A = arith.constant dense<0xFF800000> : vector<512xf32>
    %reduce_max3A_35 = vector.multi_reduction <maximumf>, %add3A_34, %reduce_max3A [1] : vector<512x8xf32> to vector<512xf32>
    %broadcast_in_dim3A = vector.shape_cast %reduce_max3A_35 : vector<512xf32> to vector<512x1xf32>
    %sub3A = vector.broadcast %broadcast_in_dim3A : vector<512x1xf32> to vector<512x8xf32>
    %sub3A_36 = arith.subf %add3A_34, %sub3A : vector<512x8xf32>
    %exp3A = math.exp %sub3A_36 : vector<512x8xf32>
    %reduce_sum3A = arith.constant dense<0.000000e+00> : vector<512xf32>
    %reduce_sum3A_37 = vector.multi_reduction <add>, %exp3A, %reduce_sum3A [1] : vector<512x8xf32> to vector<512xf32>
    %broadcast_in_dim3A_38 = vector.shape_cast %reduce_sum3A_37 : vector<512xf32> to vector<512x1xf32>
    %div3A = vector.broadcast %broadcast_in_dim3A_38 : vector<512x1xf32> to vector<512x8xf32>
    %div3A_39 = arith.divf %exp3A, %div3A : vector<512x8xf32>
    %reduce_max3A_40 = arith.constant dense<0xFF800000> : vector<512xf32>
    %reduce_max3A_41 = vector.multi_reduction <maximumf>, %div3A_39, %reduce_max3A_40 [1] : vector<512x8xf32> to vector<512xf32>
    %broadcast_in_dim3A_42 = vector.shape_cast %reduce_max3A_41 : vector<512xf32> to vector<512x1xf32>
    %iota3A = tpu.iota {dimensions = array<i32: 1>} : vector<512x8xi32>
    %eq3A = vector.broadcast %broadcast_in_dim3A_42 : vector<512x1xf32> to vector<512x8xf32>
    %eq3A_43 = arith.cmpf oeq, %div3A_39, %eq3A : vector<512x8xf32>
    %jit3A = arith.constant 8 : i32
    %broadcast_in_dim3A_44 = vector.broadcast %jit3A : i32 to vector<512x8xi32>
    %select_n3A = arith.select %eq3A_43, %iota3A, %broadcast_in_dim3A_44 : vector<512x8xi1>, vector<512x8xi32>
    %reduce_min3A = arith.constant dense<2147483647> : vector<512xi32>
    %reduce_min3A_45 = vector.multi_reduction <minsi>, %select_n3A, %reduce_min3A [1] : vector<512x8xi32> to vector<512xi32>
    %broadcast_in_dim3A_46 = vector.shape_cast %reduce_min3A_45 : vector<512xi32> to vector<512x1xi32>
    %swap3A = arith.constant 0 : index
    %swap3A_47 = arith.constant 0 : index
    %swap3A_48 = vector.load %arg8[%swap3A, %swap3A_47] : memref<512x1xi32, #tpu.memory_space<vmem>>, vector<512x1xi32>
    tpu.vector_store %arg8[%swap3A, %swap3A_47], %broadcast_in_dim3A_46 {strides = array<i32>} : memref<512x1xi32, #tpu.memory_space<vmem>>, vector<512x1xi32>,
    %eq3A_49 = arith.constant 0 : i32
    %eq3A_50 = arith.cmpi eq, %arg0, %eq3A_49 : i32
    %convert_element_type3A = arith.extui %eq3A_50 : i1 to i32
    %cond3A = arith.constant 0 : i32
    %cond3A_51 = arith.cmpi ne, %convert_element_type3A, %cond3A : i32
    scf.if %cond3A_51 {
      %broadcast_in_dim3A_124 = arith.constant 0.000000e+00 : f32
      %broadcast_in_dim3A_125 = vector.broadcast %broadcast_in_dim3A_124 : f32 to vector<1x8xf32>
      %swap3A_126 = arith.constant 0 : index
      %swap3A_127 = arith.constant 0 : index
      %swap3A_128 = vector.load %arg12[%swap3A_126, %swap3A_127] : memref<1x8xf32, #tpu.memory_space<vmem>>, vector<1x8xf32>
      tpu.vector_store %arg12[%swap3A_126, %swap3A_127], %broadcast_in_dim3A_125 {strides = array<i32>} : memref<1x8xf32, #tpu.memory_space<vmem>>, vector<1x8xf32>,
    } else {
    }
    %get3A_52 = arith.constant 0 : index
    %get3A_53 = arith.constant 0 : index
    %get3A_54 = vector.load %arg12[%get3A_52, %get3A_53] : memref<1x8xf32, #tpu.memory_space<vmem>>, vector<1x8xf32>
    %eq3A_55 = vector.broadcast %broadcast_in_dim3A_46 : vector<512x1xi32> to vector<512x8xi32>
    %eq3A_56 = arith.cmpi eq, %eq3A_55, %iota3A : vector<512x8xi32>
    %convert_element_type3A_57 = arith.extui %eq3A_56 : vector<512x8xi1> to vector<512x8xi32>
    %convert_element_type3A_58 = arith.sitofp %convert_element_type3A_57 : vector<512x8xi32> to vector<512x8xf32>
    %iota3A_59 = tpu.iota {dimensions = array<i32: 0>} : vector<512x512xi32>
    %iota3A_60 = tpu.iota {dimensions = array<i32: 1>} : vector<512x512xi32>
    %le3A = arith.cmpi sle, %iota3A_60, %iota3A_59 : vector<512x512xi32>
    %convert_element_type3A_61 = arith.extui %le3A : vector<512x512xi1> to vector<512x512xi32>
    %convert_element_type3A_62 = arith.sitofp %convert_element_type3A_61 : vector<512x512xi32> to vector<512x512xf32>
    %dot_general3A_63 = arith.constant dense<0.000000e+00> : vector<512x8xf32>
    %dot_general3A_64 = tpu.matmul %convert_element_type3A_62, %convert_element_type3A_58, %dot_general3A_63 {dimension_numbers = #tpu.dot_dimension_numbers<[1], [0], [0], [1], [0, 0, 1, 1], [], []>, transpose_lhs_hint = false} : vector<512x512xf32>, vector<512x8xf32>, vector<512x8xf32> -> vector<512x8xf32>
    %add3A_65 = vector.broadcast %get3A_54 : vector<1x8xf32> to vector<512x8xf32>
    %add3A_66 = arith.addf %dot_general3A_64, %add3A_65 : vector<512x8xf32>
    %sub3A_67 = arith.constant 1.000000e+00 : f32
    %sub3A_68 = vector.broadcast %sub3A_67 : f32 to vector<512x8xf32>
    %sub3A_69 = arith.subf %add3A_66, %sub3A_68 : vector<512x8xf32>
    %mul3A = arith.mulf %convert_element_type3A_58, %sub3A_69 : vector<512x8xf32>
    %reduce_sum3A_70 = arith.constant dense<0.000000e+00> : vector<512xf32>
    %reduce_sum3A_71 = vector.multi_reduction <add>, %mul3A, %reduce_sum3A_70 [1] : vector<512x8xf32> to vector<512xf32>
    %broadcast_in_dim3A_72 = vector.shape_cast %reduce_sum3A_71 : vector<512xf32> to vector<512x1xf32>
    %convert_element_type3A_73 = arith.fptosi %broadcast_in_dim3A_72 : vector<512x1xf32> to vector<512x1xi32>
    %swap3A_74 = arith.constant 0 : index
    %swap3A_75 = arith.constant 0 : index
    %swap3A_76 = vector.load %arg9[%swap3A_74, %swap3A_75] : memref<512x1xi32, #tpu.memory_space<vmem>>, vector<512x1xi32>
    tpu.vector_store %arg9[%swap3A_74, %swap3A_75], %convert_element_type3A_73 {strides = array<i32>} : memref<512x1xi32, #tpu.memory_space<vmem>>, vector<512x1xi32>,
    %slice3A = vector.extract_strided_slice %dot_general3A_64 {offsets = [511, 0], sizes = [1, 8], strides = [1, 1]} : vector<512x8xf32> to vector<1x8xf32>
    %add3A_77 = arith.addf %get3A_54, %slice3A : vector<1x8xf32>
    %swap3A_78 = arith.constant 0 : index
    %swap3A_79 = arith.constant 0 : index
    %swap3A_80 = vector.load %arg12[%swap3A_78, %swap3A_79] : memref<1x8xf32, #tpu.memory_space<vmem>>, vector<1x8xf32>
    tpu.vector_store %arg12[%swap3A_78, %swap3A_79], %add3A_77 {strides = array<i32>} : memref<1x8xf32, #tpu.memory_space<vmem>>, vector<1x8xf32>,
    %convert_element_type3A_81 = arith.fptosi %add3A_77 : vector<1x8xf32> to vector<1x8xi32>
    %jit3A_82 = arith.constant 0 : i32
    %pad3A = vector.broadcast %jit3A_82 : i32 to vector<1x8xi32>
    %pad3A_83 = tpu.concatenate %convert_element_type3A_81, %pad3A in 1 : vector<1x8xi32>, vector<1x8xi32> -> vector<1x16xi32>
    %swap3A_84 = arith.constant 0 : index
    %swap3A_85 = arith.constant 0 : index
    %swap3A_86 = vector.load %arg10[%swap3A_84, %swap3A_85] : memref<1x16xi32, #tpu.memory_space<vmem>>, vector<1x16xi32>
    tpu.vector_store %arg10[%swap3A_84, %swap3A_85], %pad3A_83 {strides = array<i32>} : memref<1x16xi32, #tpu.memory_space<vmem>>, vector<1x16xi32>,
    %add3A_87 = arith.constant 5.110000e+02 : f32
    %add3A_88 = vector.broadcast %add3A_87 : f32 to vector<1x8xf32>
    %add3A_89 = arith.addf %add3A_77, %add3A_88 : vector<1x8xf32>
    %div3A_90 = arith.constant 5.120000e+02 : f32
    %div3A_91 = vector.broadcast %div3A_90 : f32 to vector<1x8xf32>
    %div3A_92 = arith.divf %add3A_89, %div3A_91 : vector<1x8xf32>
    %floor3A = math.floor %div3A_92 : vector<1x8xf32>
    %jit3A_93 = arith.constant 0 : i32
    %convert_element_type3A_94 = arith.sitofp %jit3A_93 : i32 to f32
    %pad3A_95 = vector.broadcast %convert_element_type3A_94 : f32 to vector<1x1xf32>
    %pad3A_96 = tpu.concatenate %pad3A_95, %floor3A in 1 : vector<1x1xf32>, vector<1x8xf32> -> vector<1x9xf32>
    %slice3A_97 = vector.extract_strided_slice %pad3A_96 {offsets = [0, 0], sizes = [1, 8], strides = [1, 1]} : vector<1x9xf32> to vector<1x8xf32>
    %add3A_98 = arith.addf %floor3A, %slice3A_97 : vector<1x8xf32>
    %jit3A_99 = arith.constant 0 : i32
    %convert_element_type3A_100 = arith.sitofp %jit3A_99 : i32 to f32
    %pad3A_101 = vector.broadcast %convert_element_type3A_100 : f32 to vector<1x2xf32>
    %pad3A_102 = tpu.concatenate %pad3A_101, %add3A_98 in 1 : vector<1x2xf32>, vector<1x8xf32> -> vector<1x10xf32>
    %slice3A_103 = vector.extract_strided_slice %pad3A_102 {offsets = [0, 0], sizes = [1, 8], strides = [1, 1]} : vector<1x10xf32> to vector<1x8xf32>
    %add3A_104 = arith.addf %add3A_98, %slice3A_103 : vector<1x8xf32>
    %jit3A_105 = arith.constant 0 : i32
    %convert_element_type3A_106 = arith.sitofp %jit3A_105 : i32 to f32
    %pad3A_107 = vector.broadcast %convert_element_type3A_106 : f32 to vector<1x4xf32>
    %pad3A_108 = tpu.concatenate %pad3A_107, %add3A_104 in 1 : vector<1x4xf32>, vector<1x8xf32> -> vector<1x12xf32>
    %slice3A_109 = vector.extract_strided_slice %pad3A_108 {offsets = [0, 0], sizes = [1, 8], strides = [1, 1]} : vector<1x12xf32> to vector<1x8xf32>
    %add3A_110 = arith.addf %add3A_104, %slice3A_109 : vector<1x8xf32>
    %convert_element_type3A_111 = arith.fptosi %add3A_110 : vector<1x8xf32> to vector<1x8xi32>
    %iota3A_112 = tpu.iota {dimensions = array<i32: 0>} : vector<128x8xi32>
    %broadcast_in_dim3A_113 = vector.shape_cast %convert_element_type3A_111 : vector<1x8xi32> to vector<1x8xi32>
    %broadcast_in_dim3A_114 = vector.broadcast %broadcast_in_dim3A_113 : vector<1x8xi32> to vector<128x8xi32>
    %ge3A = arith.cmpi sge, %iota3A_112, %broadcast_in_dim3A_114 : vector<128x8xi32>
    %convert_element_type3A_115 = arith.extui %ge3A : vector<128x8xi1> to vector<128x8xi32>
    %reduce_sum3A_116 = arith.constant dense<0> : vector<128xi32>
    %reduce_sum3A_117 = vector.multi_reduction <add>, %convert_element_type3A_115, %reduce_sum3A_116 [1] : vector<128x8xi32> to vector<128xi32>
    %broadcast_in_dim3A_118 = vector.shape_cast %reduce_sum3A_117 : vector<128xi32> to vector<128x1xi32>
    %min3A = arith.constant 7 : i32
    %min3A_119 = vector.broadcast %min3A : i32 to vector<128x1xi32>
    %min3A_120 = arith.minsi %broadcast_in_dim3A_118, %min3A_119 : vector<128x1xi32>
    %swap3A_121 = arith.constant 0 : index
    %swap3A_122 = arith.constant 0 : index
    %swap3A_123 = vector.load %arg11[%swap3A_121, %swap3A_122] : memref<128x1xi32, #tpu.memory_space<vmem>>, vector<128x1xi32>
    tpu.vector_store %arg11[%swap3A_121, %swap3A_122], %min3A_120 {strides = array<i32>} : memref<128x1xi32, #tpu.memory_space<vmem>>, vector<128x1xi32>,
    return
  }
  func.func @transform_0(%arg0: i32) -> (i32, i32) {
    %c0_i32 = arith.constant 0 : i32
    %c0_i32_0 = arith.constant 0 : i32
    return %arg0, %c0_i32 : i32, i32
  }
  func.func @transform_1(%arg0: i32) -> (i32, i32) {
    %c0_i32 = arith.constant 0 : i32
    %c0_i32_0 = arith.constant 0 : i32
    %c0_i32_1 = arith.constant 0 : i32
    return %c0_i32, %c0_i32_0 : i32, i32
  }
  func.func @transform_2(%arg0: i32) -> (i32, i32) {
    %c0_i32 = arith.constant 0 : i32
    %c0_i32_0 = arith.constant 0 : i32
    %c0_i32_1 = arith.constant 0 : i32
    return %c0_i32, %c0_i32_0 : i32, i32
  }
  func.func @transform_3(%arg0: i32) -> (i32, i32) {
    %c0_i32 = arith.constant 0 : i32
    %c0_i32_0 = arith.constant 0 : i32
    %c0_i32_1 = arith.constant 0 : i32
    return %c0_i32, %c0_i32_0 : i32, i32
  }
  func.func @transform_4(%arg0: i32) -> (i32, i32) {
    %c0_i32 = arith.constant 0 : i32
    %c0_i32_0 = arith.constant 0 : i32
    %c0_i32_1 = arith.constant 0 : i32
    return %c0_i32, %c0_i32_0 : i32, i32
  }
  func.func @transform_5(%arg0: i32) -> (i32, i32) {
    %c0_i32 = arith.constant 0 : i32
    %c0_i32_0 = arith.constant 0 : i32
    %c0_i32_1 = arith.constant 0 : i32
    return %c0_i32, %c0_i32_0 : i32, i32
  }
  func.func @transform_6(%arg0: i32) -> (i32, i32) {
    %c0_i32 = arith.constant 0 : i32
    %c0_i32_0 = arith.constant 0 : i32
    %c0_i32_1 = arith.constant 0 : i32
    return %c0_i32, %c0_i32_0 : i32, i32
  }
  func.func @transform_7(%arg0: i32) -> (i32, i32) {
    %c0_i32 = arith.constant 0 : i32
    %c0_i32_0 = arith.constant 0 : i32
    return %arg0, %c0_i32 : i32, i32
  }
  func.func @transform_8(%arg0: i32) -> (i32, i32) {
    %c0_i32 = arith.constant 0 : i32
    %c0_i32_0 = arith.constant 0 : i32
    return %arg0, %c0_i32 : i32, i32
  }
  func.func @transform_9(%arg0: i32) -> (i32, i32) {
    %c0_i32 = arith.constant 0 : i32
    %c0_i32_0 = arith.constant 0 : i32
    %c0_i32_1 = arith.constant 0 : i32
    return %c0_i32, %c0_i32_0 : i32, i32
  }
  func.func @transform_10(%arg0: i32) -> (i32, i32) {
    %c0_i32 = arith.constant 0 : i32
    %c0_i32_0 = arith.constant 0 : i32
    %c0_i32_1 = arith.constant 0 : i32
    return %c0_i32, %c0_i32_0 : i32, i32
  }
}

module attributes {stable_mosaic.version = 14 : i64} {
  func.func @_expert_body(%arg0: i32, %arg1: memref<128xi32, #tpu.memory_space<smem>>, %arg2: memref<512x4096xf32, #tpu.memory_space<vmem>>, %arg3: memref<1x4096x64xf32, #tpu.memory_space<vmem>>, %arg4: memref<1x1x64xf32, #tpu.memory_space<vmem>>, %arg5: memref<1x64x64xf32, #tpu.memory_space<vmem>>, %arg6: memref<1x1x64xf32, #tpu.memory_space<vmem>>, %arg7: memref<1x64x64xf32, #tpu.memory_space<vmem>>, %arg8: memref<1x1x64xf32, #tpu.memory_space<vmem>>, %arg9: memref<1x64x256xf32, #tpu.memory_space<vmem>>, %arg10: memref<1x1x256xf32, #tpu.memory_space<vmem>>, %arg11: memref<512x256xf32, #tpu.memory_space<vmem>>) attributes {dimension_semantics = [#tpu.dimension_semantics<arbitrary>], iteration_bounds = array<i64: 24>, scalar_prefetch = 1 : i64, scratch_operands = 0 : i64, tpu.core_type = #tpu.core_type<tc>, window_params = [{transform_indices = @transform_0, window_bounds = array<i64: 512, 4096>}, {transform_indices = @transform_1, window_bounds = array<i64: 1, 4096, 64>}, {transform_indices = @transform_2, window_bounds = array<i64: 1, 1, 64>}, {transform_indices = @transform_3, window_bounds = array<i64: 1, 64, 64>}, {transform_indices = @transform_4, window_bounds = array<i64: 1, 1, 64>}, {transform_indices = @transform_5, window_bounds = array<i64: 1, 64, 64>}, {transform_indices = @transform_6, window_bounds = array<i64: 1, 1, 64>}, {transform_indices = @transform_7, window_bounds = array<i64: 1, 64, 256>}, {transform_indices = @transform_8, window_bounds = array<i64: 1, 1, 256>}, {transform_indices = @transform_9, window_bounds = array<i64: 512, 256>}]} {
    %get3A = arith.constant 0 : index
    %get3A_0 = arith.constant 0 : index
    %get3A_1 = vector.load %arg2[%get3A, %get3A_0] : memref<512x4096xf32, #tpu.memory_space<vmem>>, vector<512x4096xf32>
    %get3A_2 = arith.constant 0 : index
    %get3A_3 = arith.constant 0 : index
    %get3A_4 = arith.constant 0 : index
    %get3A_5 = vector.load %arg3[%get3A_2, %get3A_3, %get3A_4] : memref<1x4096x64xf32, #tpu.memory_space<vmem>>, vector<1x4096x64xf32>
    %get3A_6 = vector.shape_cast %get3A_5 : vector<1x4096x64xf32> to vector<4096x64xf32>
    %convert_element_type3A = arith.truncf %get3A_1 : vector<512x4096xf32> to vector<512x4096xbf16>
    %convert_element_type3A_7 = arith.truncf %get3A_6 : vector<4096x64xf32> to vector<4096x64xbf16>
    %dot_general3A = arith.constant dense<0.000000e+00> : vector<512x64xf32>
    %dot_general3A_8 = tpu.matmul %convert_element_type3A, %convert_element_type3A_7, %dot_general3A {dimension_numbers = #tpu.dot_dimension_numbers<[1], [0], [0], [1], [0, 0, 1, 1], [], []>, transpose_lhs_hint = false} : vector<512x4096xbf16>, vector<4096x64xbf16>, vector<512x64xf32> -> vector<512x64xf32>
    %get3A_9 = arith.constant 0 : index
    %get3A_10 = arith.constant 0 : index
    %get3A_11 = arith.constant 0 : index
    %get3A_12 = vector.load %arg4[%get3A_9, %get3A_10, %get3A_11] : memref<1x1x64xf32, #tpu.memory_space<vmem>>, vector<1x1x64xf32>
    %get3A_13 = vector.shape_cast %get3A_12 : vector<1x1x64xf32> to vector<1x64xf32>
    %add3A = vector.broadcast %get3A_13 : vector<1x64xf32> to vector<512x64xf32>
    %add3A_14 = arith.addf %dot_general3A_8, %add3A : vector<512x64xf32>
    %max3A = arith.constant 0.000000e+00 : f32
    %max3A_15 = vector.broadcast %max3A : f32 to vector<512x64xf32>
    %max3A_16 = arith.maximumf %add3A_14, %max3A_15 : vector<512x64xf32>
    %get3A_17 = arith.constant 0 : index
    %get3A_18 = arith.constant 0 : index
    %get3A_19 = arith.constant 0 : index
    %get3A_20 = vector.load %arg5[%get3A_17, %get3A_18, %get3A_19] : memref<1x64x64xf32, #tpu.memory_space<vmem>>, vector<1x64x64xf32>
    %get3A_21 = vector.shape_cast %get3A_20 : vector<1x64x64xf32> to vector<64x64xf32>
    %convert_element_type3A_22 = arith.truncf %max3A_16 : vector<512x64xf32> to vector<512x64xbf16>
    %convert_element_type3A_23 = arith.truncf %get3A_21 : vector<64x64xf32> to vector<64x64xbf16>
    %dot_general3A_24 = arith.constant dense<0.000000e+00> : vector<512x64xf32>
    %dot_general3A_25 = tpu.matmul %convert_element_type3A_22, %convert_element_type3A_23, %dot_general3A_24 {dimension_numbers = #tpu.dot_dimension_numbers<[1], [0], [0], [1], [0, 0, 1, 1], [], []>, transpose_lhs_hint = false} : vector<512x64xbf16>, vector<64x64xbf16>, vector<512x64xf32> -> vector<512x64xf32>
    %get3A_26 = arith.constant 0 : index
    %get3A_27 = arith.constant 0 : index
    %get3A_28 = arith.constant 0 : index
    %get3A_29 = vector.load %arg6[%get3A_26, %get3A_27, %get3A_28] : memref<1x1x64xf32, #tpu.memory_space<vmem>>, vector<1x1x64xf32>
    %get3A_30 = vector.shape_cast %get3A_29 : vector<1x1x64xf32> to vector<1x64xf32>
    %add3A_31 = vector.broadcast %get3A_30 : vector<1x64xf32> to vector<512x64xf32>
    %add3A_32 = arith.addf %dot_general3A_25, %add3A_31 : vector<512x64xf32>
    %max3A_33 = arith.constant 0.000000e+00 : f32
    %max3A_34 = vector.broadcast %max3A_33 : f32 to vector<512x64xf32>
    %max3A_35 = arith.maximumf %add3A_32, %max3A_34 : vector<512x64xf32>
    %get3A_36 = arith.constant 0 : index
    %get3A_37 = arith.constant 0 : index
    %get3A_38 = arith.constant 0 : index
    %get3A_39 = vector.load %arg7[%get3A_36, %get3A_37, %get3A_38] : memref<1x64x64xf32, #tpu.memory_space<vmem>>, vector<1x64x64xf32>
    %get3A_40 = vector.shape_cast %get3A_39 : vector<1x64x64xf32> to vector<64x64xf32>
    %convert_element_type3A_41 = arith.truncf %max3A_35 : vector<512x64xf32> to vector<512x64xbf16>
    %convert_element_type3A_42 = arith.truncf %get3A_40 : vector<64x64xf32> to vector<64x64xbf16>
    %dot_general3A_43 = arith.constant dense<0.000000e+00> : vector<512x64xf32>
    %dot_general3A_44 = tpu.matmul %convert_element_type3A_41, %convert_element_type3A_42, %dot_general3A_43 {dimension_numbers = #tpu.dot_dimension_numbers<[1], [0], [0], [1], [0, 0, 1, 1], [], []>, transpose_lhs_hint = false} : vector<512x64xbf16>, vector<64x64xbf16>, vector<512x64xf32> -> vector<512x64xf32>
    %get3A_45 = arith.constant 0 : index
    %get3A_46 = arith.constant 0 : index
    %get3A_47 = arith.constant 0 : index
    %get3A_48 = vector.load %arg8[%get3A_45, %get3A_46, %get3A_47] : memref<1x1x64xf32, #tpu.memory_space<vmem>>, vector<1x1x64xf32>
    %get3A_49 = vector.shape_cast %get3A_48 : vector<1x1x64xf32> to vector<1x64xf32>
    %add3A_50 = vector.broadcast %get3A_49 : vector<1x64xf32> to vector<512x64xf32>
    %add3A_51 = arith.addf %dot_general3A_44, %add3A_50 : vector<512x64xf32>
    %max3A_52 = arith.constant 0.000000e+00 : f32
    %max3A_53 = vector.broadcast %max3A_52 : f32 to vector<512x64xf32>
    %max3A_54 = arith.maximumf %add3A_51, %max3A_53 : vector<512x64xf32>
    %get3A_55 = arith.constant 0 : index
    %get3A_56 = arith.constant 0 : index
    %get3A_57 = arith.constant 0 : index
    %get3A_58 = vector.load %arg9[%get3A_55, %get3A_56, %get3A_57] : memref<1x64x256xf32, #tpu.memory_space<vmem>>, vector<1x64x256xf32>
    %get3A_59 = vector.shape_cast %get3A_58 : vector<1x64x256xf32> to vector<64x256xf32>
    %convert_element_type3A_60 = arith.truncf %max3A_54 : vector<512x64xf32> to vector<512x64xbf16>
    %convert_element_type3A_61 = arith.truncf %get3A_59 : vector<64x256xf32> to vector<64x256xbf16>
    %dot_general3A_62 = arith.constant dense<0.000000e+00> : vector<512x256xf32>
    %dot_general3A_63 = tpu.matmul %convert_element_type3A_60, %convert_element_type3A_61, %dot_general3A_62 {dimension_numbers = #tpu.dot_dimension_numbers<[1], [0], [0], [1], [0, 0, 1, 1], [], []>, transpose_lhs_hint = false} : vector<512x64xbf16>, vector<64x256xbf16>, vector<512x256xf32> -> vector<512x256xf32>
    %get3A_64 = arith.constant 0 : index
    %get3A_65 = arith.constant 0 : index
    %get3A_66 = arith.constant 0 : index
    %get3A_67 = vector.load %arg10[%get3A_64, %get3A_65, %get3A_66] : memref<1x1x256xf32, #tpu.memory_space<vmem>>, vector<1x1x256xf32>
    %get3A_68 = vector.shape_cast %get3A_67 : vector<1x1x256xf32> to vector<1x256xf32>
    %add3A_69 = vector.broadcast %get3A_68 : vector<1x256xf32> to vector<512x256xf32>
    %add3A_70 = arith.addf %dot_general3A_63, %add3A_69 : vector<512x256xf32>
    %swap3A = arith.constant 0 : index
    %swap3A_71 = arith.constant 0 : index
    %swap3A_72 = vector.load %arg11[%swap3A, %swap3A_71] : memref<512x256xf32, #tpu.memory_space<vmem>>, vector<512x256xf32>
    tpu.vector_store %arg11[%swap3A, %swap3A_71], %add3A_70 {strides = array<i32>} : memref<512x256xf32, #tpu.memory_space<vmem>>, vector<512x256xf32>,
    return
  }
  func.func @transform_0(%arg0: i32, %arg1: memref<128xi32, #tpu.memory_space<smem>>) -> (i32, i32) {
    %c0_i32 = arith.constant 0 : i32
    %c0_i32_0 = arith.constant 0 : i32
    return %arg0, %c0_i32 : i32, i32
  }
  func.func @transform_1(%arg0: i32, %arg1: memref<128xi32, #tpu.memory_space<smem>>) -> (i32, i32, i32) {
    %get3A = arith.index_cast %arg0 : i32 to index
    %get3A_0 = memref.load %arg1[%get3A] : memref<128xi32, #tpu.memory_space<smem>>
    %c0_i32 = arith.constant 0 : i32
    %c0_i32_1 = arith.constant 0 : i32
    %c0_i32_2 = arith.constant 0 : i32
    return %get3A_0, %c0_i32, %c0_i32_1 : i32, i32, i32
  }
  func.func @transform_2(%arg0: i32, %arg1: memref<128xi32, #tpu.memory_space<smem>>) -> (i32, i32, i32) {
    %get3A = arith.index_cast %arg0 : i32 to index
    %get3A_0 = memref.load %arg1[%get3A] : memref<128xi32, #tpu.memory_space<smem>>
    %c0_i32 = arith.constant 0 : i32
    %c0_i32_1 = arith.constant 0 : i32
    %c0_i32_2 = arith.constant 0 : i32
    return %get3A_0, %c0_i32, %c0_i32_1 : i32, i32, i32
  }
  func.func @transform_3(%arg0: i32, %arg1: memref<128xi32, #tpu.memory_space<smem>>) -> (i32, i32, i32) {
    %get3A = arith.index_cast %arg0 : i32 to index
    %get3A_0 = memref.load %arg1[%get3A] : memref<128xi32, #tpu.memory_space<smem>>
    %c0_i32 = arith.constant 0 : i32
    %c0_i32_1 = arith.constant 0 : i32
    %c0_i32_2 = arith.constant 0 : i32
    return %get3A_0, %c0_i32, %c0_i32_1 : i32, i32, i32
  }
  func.func @transform_4(%arg0: i32, %arg1: memref<128xi32, #tpu.memory_space<smem>>) -> (i32, i32, i32) {
    %get3A = arith.index_cast %arg0 : i32 to index
    %get3A_0 = memref.load %arg1[%get3A] : memref<128xi32, #tpu.memory_space<smem>>
    %c0_i32 = arith.constant 0 : i32
    %c0_i32_1 = arith.constant 0 : i32
    %c0_i32_2 = arith.constant 0 : i32
    return %get3A_0, %c0_i32, %c0_i32_1 : i32, i32, i32
  }
  func.func @transform_5(%arg0: i32, %arg1: memref<128xi32, #tpu.memory_space<smem>>) -> (i32, i32, i32) {
    %get3A = arith.index_cast %arg0 : i32 to index
    %get3A_0 = memref.load %arg1[%get3A] : memref<128xi32, #tpu.memory_space<smem>>
    %c0_i32 = arith.constant 0 : i32
    %c0_i32_1 = arith.constant 0 : i32
    %c0_i32_2 = arith.constant 0 : i32
    return %get3A_0, %c0_i32, %c0_i32_1 : i32, i32, i32
  }
  func.func @transform_6(%arg0: i32, %arg1: memref<128xi32, #tpu.memory_space<smem>>) -> (i32, i32, i32) {
    %get3A = arith.index_cast %arg0 : i32 to index
    %get3A_0 = memref.load %arg1[%get3A] : memref<128xi32, #tpu.memory_space<smem>>
    %c0_i32 = arith.constant 0 : i32
    %c0_i32_1 = arith.constant 0 : i32
    %c0_i32_2 = arith.constant 0 : i32
    return %get3A_0, %c0_i32, %c0_i32_1 : i32, i32, i32
  }
  func.func @transform_7(%arg0: i32, %arg1: memref<128xi32, #tpu.memory_space<smem>>) -> (i32, i32, i32) {
    %get3A = arith.index_cast %arg0 : i32 to index
    %get3A_0 = memref.load %arg1[%get3A] : memref<128xi32, #tpu.memory_space<smem>>
    %c0_i32 = arith.constant 0 : i32
    %c0_i32_1 = arith.constant 0 : i32
    %c0_i32_2 = arith.constant 0 : i32
    return %get3A_0, %c0_i32, %c0_i32_1 : i32, i32, i32
  }
  func.func @transform_8(%arg0: i32, %arg1: memref<128xi32, #tpu.memory_space<smem>>) -> (i32, i32, i32) {
    %get3A = arith.index_cast %arg0 : i32 to index
    %get3A_0 = memref.load %arg1[%get3A] : memref<128xi32, #tpu.memory_space<smem>>
    %c0_i32 = arith.constant 0 : i32
    %c0_i32_1 = arith.constant 0 : i32
    %c0_i32_2 = arith.constant 0 : i32
    return %get3A_0, %c0_i32, %c0_i32_1 : i32, i32, i32
  }
  func.func @transform_9(%arg0: i32, %arg1: memref<128xi32, #tpu.memory_space<smem>>) -> (i32, i32) {
    %c0_i32 = arith.constant 0 : i32
    %c0_i32_0 = arith.constant 0 : i32
    return %arg0, %c0_i32 : i32, i32
  }
}

</mosaic_0001>

<sc_bundles>
// kernel: kernel.6.cloned.1.call-start
scs
__scs_entry_jumppad:
0x0: {  	(pc) =	sbr.rel $0x88, $3  }
0x1: {  	(tag) =	ssettag $0x0;
	lr =	simm.s32 $0x1  }
0x2: {  	[smem:$0x3F90] =	sst lr;
	_ =	strace $0xD0000000  }
0x3: {  	_ = 	snop  }
0x4: {  	_ = 	snop  }
0x5: {  	_ = 	snop  }
0x6: {  	_ = 	snop  }
0x7: {  	_ = 	snop  }
__scs_overlays_trampoline_lowered:
0x8: {  	[smem:$0x3F9F] =	sst s0  }
0x9: {  	[smem:$0x3FA0] =	sst s1  }
0xa: {  	[smem:$0x3FA1] =	sst s2  }
0xb: {  	[smem:$0x3FA2] =	sst s3  }
0xc: {  	[smem:$0x3FA3] =	sst s4  }
0xd: {  	[smem:$0x3FA4] =	sst s5  }
0xe: {  	[smem:$0x3FA5] =	sst s6  }
0xf: {  	[smem:$0x3FA6] =	sst s7  }
0x10: {  	[smem:$0x3FA7] =	sst s8  }
0x11: {  	[smem:$0x3FA8] =	sst s9;
	s0 =	simm.s32 @!p0 $0x0  }
0x12: {  	s1 =	sld [smem:$0x3F8E];
	s0 =	simm.s32 @p0 $0x1  }
0x13: {  	[smem:$0x3FA9] =	sst s0;
	s0 =	simm.s32 @!p1 $0x0  }
0x14: {  	s2 =	sld [smem:$0x3F8D];
	s0 =	simm.s32 @p1 $0x1  }
0x15: {  	[smem:$0x3FAA] =	sst s0;
	s0 =	simm.s32 @!p2 $0x0  }
0x16: {  	s3 =	sld [smem:$0x3FDB];
	s0 =	simm.s32 @p2 $0x1  }
0x17: {  	s4 =	simm.s32 $0x1BF5;
	[smem:$0x3FAC] =	sst s0  }
0x18: {  	s0 =	sld [smem:$0x3F8F];
	_ =	swait.ge [sflag:s4], $0x0  }
0x19: {  	s7 =	sld [smem:$0x3F90]  }
0x1a: {  	s8 =	sadd.s32 $0xFFFFE003, lr  }
0x1b: {  	s9 =	sadd.s32 $0xFFFFFEF7, lr;
	s5 =	simm.s32 $0xFFFFFFFF;
	p2 =	slt.u32 s8, $0xFFFFF086  }
0x1c: {  	p1 =	slt.u32 s9, $0xF7A;
	s5 =	simm.s32 @!p2 $0x0  }
0x1d: {  	s5 =	simm.s32 @p1 $0x1;
	p0 =	seq.s32 s7, s2  }
0x1e: {  	s7 =	smul.u32 @!p0 $0xF7A, s2;
	p2 =	seq.s32 @!p0 s5, $0x0  }
0x1f: {  	s9 =	smul.u32 $0xF7A, s1;
	s8 =	simm.s32 @!p0 $0x1BF5;
	p2 =	por !p2, p0  }
0x20: {  	[sflag:s8] =	ssyncset.s32 @!p0 $0xFFFFF086;
	s6 =	sadd.s32 @!p0 s3, s7;
	s7 =	simm.s32 @!p0 $0x108  }
0x21: {  	s3 =	sadd.s32 s3, s9;
	s6 =	sadd.s32 @!p0 $0x88, s6;
	s7 =	simm.s32 @p2 $0x1082  }
0x22: {  	[simem:s7], [sflag:s8] =	dma.local @!p0 [hbm:s6], $0xF7A  }
0x23: {  	s9 =	sor.u32 $0xD0000000, s2;
	s6 =	simm.s32 $0x108;
	_ =	swait.ge @!p0 [sflag:s8], $0x0  }
0x24: {  	s3 =	sadd.s32 $0x88, s3;
	s6 =	simm.s32 @!p1 $0x1082;
	[sflag:s4] =	ssyncset.s32 $0xFFFFF086  }
0x25: {  	[simem:s6], [sflag:s4] =	dma.local [hbm:s3], $0xF7A  }
0x26: {  	[smem:$0x3F90] =	sst s1;
	(tag) =	ssettag s2;
	_ =	strace s9  }
0x27: {  	s1 =	sld [smem:$0x3FA0]  }
0x28: {  	s2 =	sld [smem:$0x3FA1]  }
0x29: {  	s4 =	sld [smem:$0x3FA3]  }
0x2a: {  	p0 =	seq.s32 s5, $0x0;
	s5 =	sld [smem:$0x3FA4]  }
0x2b: {  	s6 =	sld [smem:$0x3FA5]  }
0x2c: {  	s7 =	sld [smem:$0x3FA6]  }
0x2d: {  	s3 =	simm.s32 $0x108;
	s8 =	sld [smem:$0x3FA7]  }
0x2e: {  	s3 =	simm.s32 @!p0 $0x1082;
	s9 =	sld [smem:$0x3FA8]  }
0x2f: {  	lr =	sadd.s32 s0, s3;
	s0 =	sld [smem:$0x3F9F]  }
0x30: {  	s3 =	sld [smem:$0x3FA2]  }
0x31: {  	[smem:$0x3FAB] =	sst s10  }
0x32: {  	s10 =	sld [smem:$0x3FA9];
	_ =	sdelay $0x3  }
0x33: {  	p0 =	seq.s32 s10, $0x1;
	s10 =	sld [smem:$0x3FAB];
	_ =	sdelay $0x3  }
0x34: {  	[smem:$0x3FAB] =	sst s10  }
0x35: {  	s10 =	sld [smem:$0x3FAA];
	_ =	sdelay $0x3  }
0x36: {  	p1 =	seq.s32 s10, $0x1;
	s10 =	sld [smem:$0x3FAB];
	_ =	sdelay $0x3  }
0x37: {  	[smem:$0x3FAB] =	sst s10  }
0x38: {  	s10 =	sld [smem:$0x3FAC]  }
0x39: {  	_ = 	snop;
	(pc) =	sbr.ind lr, $3  }
0x3a: {  	_ = 	snop  }
0x3b: {  	_ = 	snop  }
0x3c: {  	p2 =	seq.s32 s10, $0x1;
	s10 =	sld [smem:$0x3FAB]  }
0x3d: {  	_ =	shalt  }
0x3e: {  	_ =	shalt  }
0x3f: {  	_ =	shalt  }
0x40: {  	_ =	shalt  }
0x41: {  	_ =	shalt  }
0x42: {  	_ =	shalt  }
0x43: {  	_ =	shalt  }
0x44: {  	_ =	shalt  }
0x45: {  	_ =	shalt  }
0x46: {  	_ =	shalt  }
0x47: {  	_ =	shalt  }
0x48: {  	_ =	shalt  }
0x49: {  	_ =	shalt  }
0x4a: {  	_ =	shalt  }
0x4b: {  	_ =	shalt  }
0x4c: {  	_ =	shalt  }
0x4d: {  	_ =	shalt  }
0x4e: {  	_ =	shalt  }
0x4f: {  	_ =	shalt  }
0x50: {  	_ =	shalt  }
0x51: {  	_ =	shalt  }
0x52: {  	_ =	shalt  }
0x53: {  	_ =	shalt  }
0x54: {  	_ =	shalt  }
0x55: {  	_ =	shalt  }
0x56: {  	_ =	shalt  }
0x57: {  	_ =	shalt  }
0x58: {  	_ =	shalt  }
0x59: {  	_ =	shalt  }
0x5a: {  	_ =	shalt  }
0x5b: {  	_ =	shalt  }
0x5c: {  	_ =	shalt  }
0x5d: {  	_ =	shalt  }
0x5e: {  	_ =	shalt  }
0x5f: {  	_ =	shalt  }
0x60: {  	_ =	shalt  }
0x61: {  	_ =	shalt  }
0x62: {  	_ =	shalt  }
0x63: {  	_ =	shalt  }
0x64: {  	_ =	shalt  }
0x65: {  	_ =	shalt  }
0x66: {  	_ =	shalt  }
0x67: {  	_ =	shalt  }
0x68: {  	_ =	shalt  }
0x69: {  	_ =	shalt  }
0x6a: {  	_ =	shalt  }
0x6b: {  	_ =	shalt  }
0x6c: {  	_ =	shalt  }
0x6d: {  	_ =	shalt  }
0x6e: {  	_ =	shalt  }
0x6f: {  	_ =	shalt  }
0x70: {  	_ =	shalt  }
0x71: {  	_ =	shalt  }
0x72: {  	_ =	shalt  }
0x73: {  	_ =	shalt  }
0x74: {  	_ =	shalt  }
0x75: {  	_ =	shalt  }
0x76: {  	_ =	shalt  }
0x77: {  	_ =	shalt  }
0x78: {  	_ =	shalt  }
0x79: {  	_ =	shalt  }
0x7a: {  	_ =	shalt  }
0x7b: {  	_ =	shalt  }
0x7c: {  	_ =	shalt  }
0x7d: {  	_ =	shalt  }
0x7e: {  	_ =	shalt  }
0x7f: {  	_ =	shalt  }
0x80: {  	_ =	shalt  }
0x81: {  	_ =	shalt  }
0x82: {  	_ =	shalt  }
0x83: {  	_ =	shalt  }
0x84: {  	_ =	shalt  }
0x85: {  	_ =	shalt  }
0x86: {  	_ =	shalt  }
0x87: {  	_ =	shalt  }
.Lfunc_end0:
.L_simem_size_0:
called_computation_lowered:
.L_overlay_start_0:
0x88: {  	s2 =	sld [smem:$0x3FD9]  }
0x89: {  	s3 =	sld [smem:$0x3FFE];
	_ =	sdelay $0x1  }
0x8a: {  	s1 =	srdreg.scid  }
0x8b: {  	s0 =	sand.u32 $0x1, s1  }
0x8c: {  	s17 =	sshll.u32 s0, $0xA;
	s2 =	sadd.s32 s3, s2  }
0x8d: {  	s2 =	sadd.s32 s2, s17  }
0x8e: {  	[smem:$0x3FB7] =	sst s2  }
0x8f: {  	_ = 	snop  }
0x90: {  	s2 =	sld [smem:$0x3FC9];
	(tm) =	ssettm $0x1  }
0x91: {  	s18 =	sld [smem:$0x3FFB];
	_ =	sdelay $0x3  }
0x92: {  	_ =	strace s18  }
0x93: {  	s3 =	sld [smem:$0x3FFC];
	_ =	sdelay $0x3  }
0x94: {  	_ =	strace s3  }
0x95: {  	s3 =	sld [smem:$0x3FFD];
	_ =	sdelay $0x3  }
0x96: {  	_ =	strace s3  }
0x97: {  	_ =	strace $0x8FFFFFFF  }
0x98: {  	s19 =	sld [smem:$0x3FDB];
	_ =	sdelay $0x1  }
0x99: {  	s4 =	simm.s32 $_scs_section_size  }
0x9a: {  	s5 =	simm.s32 $_size__tile_overlayer_lowered;
	s6 =	simm.s32 $_tile_overlayer_lowered  }
0x9b: {  	s22 =	simm.s32 $0x1BFF;
	s21 =	sshll.u32 s6, $0x1;
	s3 =	sadd.s32 s4, s19  }
0x9c: {  	s7 =	simm.s32 $0x0;
	s20 =	sshll.u32 s5, $0x1;
	s5 =	sadd.s32 s21, s3  }
0x9d: {  	[timem:s7], [sflag:s22] =	dma.local [hbm:s5], s20  }
0x9e: {  	_ =	swait.ge [sflag:s22], s20  }
0x9f: {  	s4 =	ssub.s32 $0x0, s20;
	[sflag:s22] =	ssyncset.done $0x0  }
0xa0: {  	[sflag:s22] =	ssyncadd.s32 s4;
	_ =	sdelay $0x1  }
0xa1: {  	s23 =	simm.s32 $0x1B8B  }
0xa2: {  	_ =	swait.ge [sflag:s23], $0x1  }
0xa3: {  	[sflag:s23] =	ssyncset.done $0x0  }
0xa4: {  	s25 =	simm.s32 $0x1B8E;
	s24 =	sld [smem:$0x3FFE];
	[sflag:s23] =	ssyncadd.s32 $0xFFFFFFFF  }
0xa5: {  	s26 =	simm.s32 $execute0_lowered;
	[smem:$0x3FD2] =	sst s25  }
0xa6: {  	s5 =	sshll.u32 s26, $0x1;
	_ =	strace $0x80000046;
	[dreg:$0x1] =	wrdreg $0xFFFFFFFF  }
0xa7: {  	s28 =	simm.s32 $_size_execute0_lowered;
	s3 =	sadd.s32 s3, s5;
	[dreg:$0x0] =	wrdreg $0x0  }
0xa8: {  	s5 =	sshll.u32 s28, $0x1;
	[dreg:$0x2] =	wrdreg s3  }
0xa9: {  	[dreg:$0x3] =	wrdreg s5  }
0xaa: {  	[dreg:$0x4] =	wrdreg $0xC0  }
0xab: {  	_ =	task [dreg:s7], $0x5FFFF  }
0xac: {  	[dreg:$0x1] =	wrdreg $0xFFFFFFFF  }
0xad: {  	[dreg:$0x0] =	wrdreg $0x60  }
0xae: {  	[dreg:$0x2] =	wrdreg s2  }
0xaf: {  	[dreg:$0x3] =	wrdreg s24  }
0xb0: {  	[dreg:$0x4] =	wrdreg $0x9  }
0xb1: {  	_ =	task.clear_ibuf [dreg:s7], $0x5FFFF;
	_ =	strace $0x90000046  }
0xb2: {  	s29 =	simm.s32 $0x9;
	_ =	strace $0x80000048  }
0xb3: {  	_ =	swait.ge [sflag:s29], $0x1  }
0xb4: {  	[sflag:s29] =	ssyncadd.s32 $0xFFFFFFFF  }
0xb5: {  	_ =	strace $0x90000048  }
0xb6: {  	_ =	sfence  }
0xb7: {  	s30 =	sld [smem:$0x0];
	_ =	sdelay $0x2  }
0xb8: {  	s31 =	sshll.u32 s1, $0xD;
	s1 =	sshrl.u32 s1, $0x2  }
0xb9: {  	s3 =	sand.u32 $0x4000, s31;
	s1 =	sadd.s32 s1, s30  }
0xba: {  	s0 =	sor.u32 s3, s0;
	s1 =	sshll.u32 s1, $0x11  }
0xbb: {  	s0 =	sor.u32 s1, s0  }
0xbc: {  	s0 =	sadd.s32 $0x8F2B, s0  }
0xbd: {  	[sflag:s0] =	ssyncadd.remote.s32 $0x1  }
0xbe: {  	_ =	sfence.sel $0xFFFF  }
0xbf: {  	[dreg:$0x0] =	wrdreg $0xFFFFFFFF;
	(pc) =	sbr.abs _section_cstart, $3  }
0xc0: {  	[dreg:$0x1] =	wrdreg $0xFFFFFFFF  }
0xc1: {  	_ =	task.clear_ibuf [dreg:s7], $0x2FFFF;
	_ =	strace $0x9FFFFFFF  }
0xc2: {  	(tm) =	ssettm $0x7FFFFFFF  }
0xc3: {  	_ =	shalt  }
tec
execute0_lowered:
.L_overlay_start_1:
0x0: {  	(tag) =	ssettag $0x1  }
0x1: {  	s0 =	srdreg.scid;
	s3 =	rddreg [dreg:$0x0]  }
0x2: {  	s20 =	stileid.u32;
	s1 =	rddreg [dreg:$0x1]  }
0x3: {  	s2 =	simm.s32 $0x0;
	s6 =	simm.s32 $0xC00;
	s23 =	simm.s32 $0x1400  }
0x4: {  	s24 =	simm.s32 $0x1C00;
	[smem:$0x7FF] =	sst s2;
	s22 =	sadd.s32 $0x1C00, s1  }
0x5: {  	s25 =	simm.s32 $0x2400;
	_ =	strace $0x80000047;
	[dreg:$0x1c] =	wrdreg s22  }
0x6: {  	s9 =	simm.s32 $0x3C00;
	s10 =	simm.s32 $0x4400;
	[dreg:$0x3] =	wrdreg s6  }
0x7: {  	s11 =	simm.s32 $0x4C00;
	s12 =	simm.s32 $0x5400;
	[dreg:$0x4] =	wrdreg s23  }
0x8: {  	s13 =	simm.s32 $0x5C00;
	s14 =	simm.s32 $0x6400;
	[dreg:$0x5] =	wrdreg s24  }
0x9: {  	s15 =	simm.s32 $0x6C00;
	s16 =	simm.s32 $0x7400;
	[dreg:$0x6] =	wrdreg s25  }
0xa: {  	s17 =	simm.s32 $0x7C00;
	s18 =	simm.s32 $0x8400;
	[dreg:$0x9] =	wrdreg s9  }
0xb: {  	s19 =	simm.s32 $0x8C00;
	s28 =	simm.s32 $0x300;
	[dreg:$0xa] =	wrdreg s10  }
0xc: {  	s29 =	simm.s32 $0x400;
	s30 =	simm.s32 $0xD400;
	[dreg:$0xb] =	wrdreg s11  }
0xd: {  	s31 =	simm.s32 $0xDC00;
	s0 =	sand.u32 $0x1, s0;
	[dreg:$0xc] =	wrdreg s12  }
0xe: {  	s4 =	sshll.u32 s20, $0x9;
	s5 =	sshll.u32 s0, $0x8;
	[dreg:$0xd] =	wrdreg s13  }
0xf: {  	s7 =	ssub.s32 $0x2, s0;
	s9 =	sadd.s32 $0x2900, s1;
	[dreg:$0xe] =	wrdreg s14  }
0x10: {  	s10 =	sadd.s32 $0x2A00, s1;
	s11 =	sadd.s32 $0x2B00, s1;
	[dreg:$0xf] =	wrdreg s15  }
0x11: {  	s12 =	sadd.s32 $0x2C00, s1;
	s13 =	sadd.s32 $0x2D00, s1;
	[dreg:$0x10] =	wrdreg s16  }
0x12: {  	s14 =	sadd.s32 $0x2E00, s1;
	s15 =	sadd.s32 $0x2F00, s1;
	[dreg:$0x11] =	wrdreg s17  }
0x13: {  	s16 =	sadd.s32 $0x3000, s1;
	s17 =	sadd.s32 $0x3100, s1;
	[dreg:$0x12] =	wrdreg s18  }
0x14: {  	s18 =	sadd.s32 $0x3200, s1;
	[dreg:$0x13] =	wrdreg s19;
	s19 =	sadd.s32 $0x3300, s1  }
0x15: {  	s23 =	simm.s32 $0x9C00;
	s24 =	sshll.u32 s20, $0x12;
	s25 =	simm.s32 $0xA400  }
0x16: {  	s20 =	sadd.s32 $0x3400, s1;
	s6 =	simm.s32 $0xB400;
	[dreg:$0x15] =	wrdreg s23  }
0x17: {  	s0 =	sshll.u32 s0, $0x11;
	s4 =	sor.u32 s5, s4;
	[dreg:$0x16] =	wrdreg s25  }
0x18: {  	s8 =	sshrl.u32 s7, $0x1;
	s3 =	sadd.s32 s24, s3;
	[dreg:$0x18] =	wrdreg s6  }
0x19: {  	s23 =	simm.s32 $0xBC00;
	s25 =	simm.s32 $0xC400;
	s6 =	simm.s32 $0x0  }
0x1a: {  	s4 =	sshrl.u32 s4, $0x3;
	s22 =	ssub.s32 s7, s8;
	[dreg:$0x19] =	wrdreg s23  }
0x1b: {  	s7 =	simm.s32 $0x2C00;
	s8 =	simm.s32 $0x3400;
	[dreg:$0x1a] =	wrdreg s25  }
0x1c: {  	s0 =	sadd.s32 s0, s3;
	s25 =	simm.s32 $0xF400;
	[dreg:$0x7] =	wrdreg s7  }
0x1d: {  	s3 =	simm.s32 $0x1;
	s21 =	sadd.s32 s4, s1;
	[dreg:$0x8] =	wrdreg s8  }
0x1e: {  	s4 =	sadd.s32 $0x2600, s1;
	s24 =	smax.u32 s22, $0x1;
	[smem:$0x7FD] =	sst s0  }
0x1f: {  	s7 =	sadd.s32 $0x2700, s1;
	s26 =	sadd.s32 $0x1E00, s21;
	[dreg:$0x1f] =	wrdreg s24  }
0x20: {  	s8 =	sadd.s32 $0x2800, s1;
	s5 =	sadd.s32 $0x2200, s21;
	[dreg:$0x1d] =	wrdreg s26  }
0x21: {  	s0 =	simm.s32 $0xEC00;
	s21 =	simm.s32 $0x9400;
	[dreg:$0x1e] =	wrdreg s5  }
0x22: {  	v2 =	vlaneseq.u32;
	s24 =	simm.s32 $0x2;
	[dreg:$0x14] =	wrdreg s21;
	s26 =	simm.s32 $0xAC00  }
0x23: {  	vm0 =	vmmov $0xffff;
	v1 =	vshrl.u32 v2, $0x3;
	s21 =	sadd.s32 $0x3500, s1;
	[dreg:$0x17] =	wrdreg s26;
	s26 =	simm.s32 $0xCC00  }
0x24: {  	v0 =	vand.u32 $0x7, v2;
	v2 =	vor.u32 $0x8, v2;
	v1 =	vmul.u32 $0x8, v1;
	s1 =	simm.s32 $0xE400;
	[dreg:$0x1b] =	wrdreg s26;
	s26 =	simm.s32 $0xFC00  }
.LBB2_1:
0x25: {  	[smem:$0x7FC] =	sst s6  }
0x26: {  	s5 =	rddreg [dreg:$0x1d]  }
0x27: {  	[tilespmem:s2], [sflag:$0x2] =	stream.linear.gather [hbm4b:s5+s2], $0x100, $0x38;
	[tilespmem:$0x10400] =	vst v63  }
0x28: {  	_ =	swait.ge [sflag:s24], $0x100  }
0x29: {  	[sflag:s24] =	ssyncset.done $0x0  }
0x2a: {  	s23 =	simm.s32 $0x100;
	s22 =	rddreg [dreg:$0x1e];
	[sflag:s24] =	ssyncadd.s32 $0xFFFFFF00  }
0x2b: {  	[tilespmem:s23], [sflag:$0x2] =	stream.linear.gather [hbm4b:s22+s2], $0x100, $0x38;
	[tilespmem:$0x10400] =	vst v63  }
0x2c: {  	_ =	swait.ge [sflag:s24], $0x100  }
0x2d: {  	[sflag:s24] =	ssyncset.done $0x0  }
0x2e: {  	s23 =	simm.s32 $0x380;
	s22 =	rddreg [dreg:$0x1c];
	[sflag:s24] =	ssyncadd.s32 $0xFFFFFF00  }
0x2f: {  	[tilespmem:s23], [sflag:$0x2] =	stream.linear.gather [hbm4b:s22+s2], $0x80, $0x38;
	[tilespmem:$0x10400] =	vst v63  }
0x30: {  	_ =	swait.ge [sflag:s24], $0x80  }
0x31: {  	[sflag:s24] =	ssyncset.done $0x0  }
0x32: {  	[sflag:s24] =	ssyncadd.s32 $0xFFFFFF80  }
0x33: {  	v3 =	vld [tilespmem:$0x380];
	_ =	sdelay $0x4  }
0x34: {  	v3 =	vadd.s32 $0x1FF, v3  }
0x35: {  	v3 =	vshra.s32 v3, $0x9  }
0x36: {  	(xrf0) =	vadd.scan.msk.s32 $0xffff, v3;
	_ =	sdelay $0x5  }
0x37: {  	v4, _, _ =	vpop (xrf0)  }
0x38: {  	v3 =	vsub.s32 v4, v3  }
0x39: {  	v3 =	vshll.u32 v3, $0x9  }
0x3a: {  	s6 =	simm.s32 $0x0;
	[tilespmem:$0x300] =	vst v3  }
0x3b: {  	v4 =	vld [tilespmem:s6+$0x0];
	_ =	sdelay $0x6  }
0x3c: {  	v3 =	vld [tilespmem:s6+$0x100]  }
0x3d: {  	s23 =	simm.s32 $0x10;
	s22 =	simm.s32 $0x80;
	v4 =	vld.idx.msk [tilespmem:v4+s28+$0x0], $0xffff  }
.LBB2_2:
0x3e: {  	p0 =	sne.s32 s22, $0x3C0;
	v5 =	vld [tilespmem:s23+$0x0];
	_ =	sdelay $0x3  }
.Ltmp0:
0x3f: {  	(pc) =	sbr.rel @p0 .LBB2_2-.Ltmp0, $4  }
0x40: {  	v3 =	vadd.s32 v4, v3  }
0x41: {  	[tilespmem:s6+$0x200] =	vst v3;
	s6 =	smov.u32 s23  }
0x42: {  	v3 =	vld [tilespmem:s6+$0x100]  }
0x43: {  	s23 =	sshra.s32 s22, $0x2;
	s22 =	sadd.s32 $0x40, s22;
	v4 =	vld.idx.msk [tilespmem:v5+s28+$0x0], $0xffff  }
0x44: {  	v5 =	vld [tilespmem:s23+$0x0];
	_ =	sdelay $0x4  }
0x45: {  	v3 =	vadd.s32 v4, v3  }
0x46: {  	[tilespmem:s6+$0x200] =	vst v3  }
0x47: {  	v3 =	vld [tilespmem:s23+$0x100]  }
0x48: {  	v62 =	vld.idx.msk [tilespmem:v5+s28+$0x0], $0xffff;
	_ =	sdelay $0x4  }
0x49: {  	v3 =	vadd.s32 v62, v3  }
0x4a: {  	[tilespmem:s23+$0x200] =	vst v3;
	s23 =	simm.s32 $0x0  }
0x4b: {  	v3 =	vld [tilespmem:s23+$0x200];
	_ =	sdelay $0x4  }
0x4c: {  	v63 =	vshll.u32 v3, $0x5  }
0x4d: {  	v3 =	vand.u32 $0x7, v3;
	v4 =	vand.u32 $0xFFFFFF00, v63  }
0x4e: {  	v3 =	vor.u32 v3, v4  }
0x4f: {  	s23 =	sld [smem:$0x7FD];
	v4 =	vperm.xlane v3, v0;
	_ =	sdelay $0x1  }
0x50: {  	v4 =	vadd.s32 v1, v4  }
0x51: {  	[tilespmem:s29], [sflag:$0x2] =	stream.linear.gather [hbm4b:s23+s2], $0x10000, $0x38;
	[tilespmem:$0x10400] =	vst v63  }
0x52: {  	_ =	swait.ge [sflag:s24], $0x10000  }
0x53: {  	[sflag:s24] =	ssyncset.done $0x0  }
0x54: {  	[sflag:s24] =	ssyncadd.s32 $0xFFFF0000  }
0x55: {  	[hbm4b:s4+s2] =	stream.indirect_vreg.scatter [tilespmem:s29], [sflag:$0x1], $0x80, v4, vm0, $0xb8;
	[tilespmem:$0x10400] =	vst v63  }
0x56: {  	s5 =	rddreg [dreg:$0x3]  }
0x57: {  	[hbm4b:s7+s2] =	stream.indirect_vreg.scatter [tilespmem:s5], [sflag:$0x1], $0x80, v4, vm0, $0xb8;
	[tilespmem:$0x10400] =	vst v63  }
0x58: {  	s22 =	rddreg [dreg:$0x4]  }
0x59: {  	[hbm4b:s8+s2] =	stream.indirect_vreg.scatter [tilespmem:s22], [sflag:$0x1], $0x80, v4, vm0, $0xb8;
	[tilespmem:$0x10400] =	vst v63  }
0x5a: {  	s5 =	rddreg [dreg:$0x5]  }
0x5b: {  	[hbm4b:s9+s2] =	stream.indirect_vreg.scatter [tilespmem:s5], [sflag:$0x1], $0x80, v4, vm0, $0xb8;
	[tilespmem:$0x10400] =	vst v63  }
0x5c: {  	s22 =	rddreg [dreg:$0x6]  }
0x5d: {  	[hbm4b:s10+s2] =	stream.indirect_vreg.scatter [tilespmem:s22], [sflag:$0x1], $0x80, v4, vm0, $0xb8;
	[tilespmem:$0x10400] =	vst v63  }
0x5e: {  	s5 =	rddreg [dreg:$0x7]  }
0x5f: {  	[hbm4b:s11+s2] =	stream.indirect_vreg.scatter [tilespmem:s5], [sflag:$0x1], $0x80, v4, vm0, $0xb8;
	[tilespmem:$0x10400] =	vst v63  }
0x60: {  	s22 =	rddreg [dreg:$0x8]  }
0x61: {  	[hbm4b:s12+s2] =	stream.indirect_vreg.scatter [tilespmem:s22], [sflag:$0x1], $0x80, v4, vm0, $0xb8;
	[tilespmem:$0x10400] =	vst v63  }
0x62: {  	s5 =	rddreg [dreg:$0x9]  }
0x63: {  	[hbm4b:s13+s2] =	stream.indirect_vreg.scatter [tilespmem:s5], [sflag:$0x1], $0x80, v4, vm0, $0xb8;
	[tilespmem:$0x10400] =	vst v63  }
0x64: {  	s22 =	rddreg [dreg:$0xa]  }
0x65: {  	[hbm4b:s14+s2] =	stream.indirect_vreg.scatter [tilespmem:s22], [sflag:$0x1], $0x80, v4, vm0, $0xb8;
	[tilespmem:$0x10400] =	vst v63  }
0x66: {  	s5 =	rddreg [dreg:$0xb]  }
0x67: {  	[hbm4b:s15+s2] =	stream.indirect_vreg.scatter [tilespmem:s5], [sflag:$0x1], $0x80, v4, vm0, $0xb8;
	[tilespmem:$0x10400] =	vst v63  }
0x68: {  	s22 =	rddreg [dreg:$0xc]  }
0x69: {  	[hbm4b:s16+s2] =	stream.indirect_vreg.scatter [tilespmem:s22], [sflag:$0x1], $0x80, v4, vm0, $0xb8;
	[tilespmem:$0x10400] =	vst v63  }
0x6a: {  	s5 =	rddreg [dreg:$0xd]  }
0x6b: {  	[hbm4b:s17+s2] =	stream.indirect_vreg.scatter [tilespmem:s5], [sflag:$0x1], $0x80, v4, vm0, $0xb8;
	[tilespmem:$0x10400] =	vst v63  }
0x6c: {  	s22 =	rddreg [dreg:$0xe]  }
0x6d: {  	[hbm4b:s18+s2] =	stream.indirect_vreg.scatter [tilespmem:s22], [sflag:$0x1], $0x80, v4, vm0, $0xb8;
	[tilespmem:$0x10400] =	vst v63  }
0x6e: {  	v3 =	vperm.xlane v3, v2;
	s5 =	rddreg [dreg:$0xf]  }
0x6f: {  	[hbm4b:s19+s2] =	stream.indirect_vreg.scatter [tilespmem:s5], [sflag:$0x1], $0x80, v4, vm0, $0xb8;
	[tilespmem:$0x10400] =	vst v63  }
0x70: {  	v3 =	vadd.s32 v1, v3;
	s22 =	rddreg [dreg:$0x10]  }
0x71: {  	[hbm4b:s20+s2] =	stream.indirect_vreg.scatter [tilespmem:s22], [sflag:$0x1], $0x80, v4, vm0, $0xb8;
	[tilespmem:$0x10400] =	vst v63  }
0x72: {  	s5 =	rddreg [dreg:$0x11]  }
0x73: {  	[hbm4b:s21+s2] =	stream.indirect_vreg.scatter [tilespmem:s5], [sflag:$0x1], $0x80, v4, vm0, $0xb8;
	[tilespmem:$0x10400] =	vst v63  }
0x74: {  	s22 =	rddreg [dreg:$0x12]  }
0x75: {  	[hbm4b:s4+s2] =	stream.indirect_vreg.scatter [tilespmem:s22], [sflag:$0x1], $0x80, v3, vm0, $0xb8;
	[tilespmem:$0x10400] =	vst v63  }
0x76: {  	s5 =	rddreg [dreg:$0x13]  }
0x77: {  	[hbm4b:s7+s2] =	stream.indirect_vreg.scatter [tilespmem:s5], [sflag:$0x1], $0x80, v3, vm0, $0xb8;
	[tilespmem:$0x10400] =	vst v63  }
0x78: {  	s22 =	rddreg [dreg:$0x14]  }
0x79: {  	[hbm4b:s8+s2] =	stream.indirect_vreg.scatter [tilespmem:s22], [sflag:$0x1], $0x80, v3, vm0, $0xb8;
	[tilespmem:$0x10400] =	vst v63  }
0x7a: {  	s5 =	rddreg [dreg:$0x15]  }
0x7b: {  	[hbm4b:s9+s2] =	stream.indirect_vreg.scatter [tilespmem:s5], [sflag:$0x1], $0x80, v3, vm0, $0xb8;
	[tilespmem:$0x10400] =	vst v63  }
0x7c: {  	s22 =	rddreg [dreg:$0x16]  }
0x7d: {  	[hbm4b:s10+s2] =	stream.indirect_vreg.scatter [tilespmem:s22], [sflag:$0x1], $0x80, v3, vm0, $0xb8;
	[tilespmem:$0x10400] =	vst v63  }
0x7e: {  	s5 =	rddreg [dreg:$0x17]  }
0x7f: {  	[hbm4b:s11+s2] =	stream.indirect_vreg.scatter [tilespmem:s5], [sflag:$0x1], $0x80, v3, vm0, $0xb8;
	[tilespmem:$0x10400] =	vst v63  }
0x80: {  	s22 =	rddreg [dreg:$0x18]  }
0x81: {  	[hbm4b:s12+s2] =	stream.indirect_vreg.scatter [tilespmem:s22], [sflag:$0x1], $0x80, v3, vm0, $0xb8;
	[tilespmem:$0x10400] =	vst v63  }
0x82: {  	s5 =	rddreg [dreg:$0x19]  }
0x83: {  	[hbm4b:s13+s2] =	stream.indirect_vreg.scatter [tilespmem:s5], [sflag:$0x1], $0x80, v3, vm0, $0xb8;
	[tilespmem:$0x10400] =	vst v63  }
0x84: {  	s22 =	rddreg [dreg:$0x1a]  }
0x85: {  	[hbm4b:s14+s2] =	stream.indirect_vreg.scatter [tilespmem:s22], [sflag:$0x1], $0x80, v3, vm0, $0xb8;
	[tilespmem:$0x10400] =	vst v63  }
0x86: {  	s5 =	rddreg [dreg:$0x1b]  }
0x87: {  	[hbm4b:s15+s2] =	stream.indirect_vreg.scatter [tilespmem:s5], [sflag:$0x1], $0x80, v3, vm0, $0xb8;
	[tilespmem:$0x10400] =	vst v63  }
0x88: {  	_ = 	snop  }
0x89: {  	[hbm4b:s16+s2] =	stream.indirect_vreg.scatter [tilespmem:s30], [sflag:$0x1], $0x80, v3, vm0, $0xb8;
	[tilespmem:$0x10400] =	vst v63  }
0x8a: {  	_ = 	snop  }
0x8b: {  	[hbm4b:s17+s2] =	stream.indirect_vreg.scatter [tilespmem:s31], [sflag:$0x1], $0x80, v3, vm0, $0xb8;
	[tilespmem:$0x10400] =	vst v63  }
0x8c: {  	_ = 	snop  }
0x8d: {  	[hbm4b:s18+s2] =	stream.indirect_vreg.scatter [tilespmem:s1], [sflag:$0x1], $0x80, v3, vm0, $0xb8;
	[tilespmem:$0x10400] =	vst v63  }
0x8e: {  	_ = 	snop  }
0x8f: {  	[hbm4b:s19+s2] =	stream.indirect_vreg.scatter [tilespmem:s0], [sflag:$0x1], $0x80, v3, vm0, $0xb8;
	[tilespmem:$0x10400] =	vst v63  }
0x90: {  	_ = 	snop  }
0x91: {  	[hbm4b:s20+s2] =	stream.indirect_vreg.scatter [tilespmem:s25], [sflag:$0x1], $0x80, v3, vm0, $0xb8;
	[tilespmem:$0x10400] =	vst v63  }
0x92: {  	_ = 	snop  }
0x93: {  	[hbm4b:s21+s2] =	stream.indirect_vreg.scatter [tilespmem:s26], [sflag:$0x1], $0x80, v3, vm0, $0xb8;
	[tilespmem:$0x10400] =	vst v63  }
0x94: {  	_ =	swait.ge [sflag:s3], $0x10000  }
0x95: {  	s6 =	simm.s32 $0x40;
	[sflag:s3] =	ssyncset.done $0x0  }
.LBB2_4:
0x96: {  	[sflag:s3] =	ssyncadd.s32 $0xFFFF0000;
	s22 =	sshra.s32 s6, $0x2  }
0x97: {  	v3 =	vld [tilespmem:s22+$0x200];
	_ =	sdelay $0x4  }
0x98: {  	v4 =	vshll.u32 v3, $0x5  }
0x99: {  	v3 =	vand.u32 $0x7, v3;
	v4 =	vand.u32 $0xFFFFFF00, v4  }
0x9a: {  	v3 =	vor.u32 v3, v4  }
0x9b: {  	v4 =	vperm.xlane v3, v0;
	_ =	sdelay $0x1  }
0x9c: {  	s23 =	sadd.s32 $0x2000, s23;
	v4 =	vadd.s32 v1, v4  }
0x9d: {  	[tilespmem:s29], [sflag:$0x2] =	stream.linear.gather [hbm4b:s23+s2], $0x10000, $0x38;
	[tilespmem:$0x10400] =	vst v63  }
0x9e: {  	_ =	swait.ge [sflag:s24], $0x10000  }
0x9f: {  	[sflag:s24] =	ssyncset.done $0x0  }
0xa0: {  	[sflag:s24] =	ssyncadd.s32 $0xFFFF0000  }
0xa1: {  	[hbm4b:s4+s2] =	stream.indirect_vreg.scatter [tilespmem:s29], [sflag:$0x1], $0x80, v4, vm0, $0xb8;
	[tilespmem:$0x10400] =	vst v63  }
0xa2: {  	s22 =	rddreg [dreg:$0x3]  }
0xa3: {  	[hbm4b:s7+s2] =	stream.indirect_vreg.scatter [tilespmem:s22], [sflag:$0x1], $0x80, v4, vm0, $0xb8;
	[tilespmem:$0x10400] =	vst v63  }
0xa4: {  	s5 =	rddreg [dreg:$0x4]  }
0xa5: {  	[hbm4b:s8+s2] =	stream.indirect_vreg.scatter [tilespmem:s5], [sflag:$0x1], $0x80, v4, vm0, $0xb8;
	[tilespmem:$0x10400] =	vst v63  }
0xa6: {  	s22 =	rddreg [dreg:$0x5]  }
0xa7: {  	[hbm4b:s9+s2] =	stream.indirect_vreg.scatter [tilespmem:s22], [sflag:$0x1], $0x80, v4, vm0, $0xb8;
	[tilespmem:$0x10400] =	vst v63  }
0xa8: {  	s5 =	rddreg [dreg:$0x6]  }
0xa9: {  	[hbm4b:s10+s2] =	stream.indirect_vreg.scatter [tilespmem:s5], [sflag:$0x1], $0x80, v4, vm0, $0xb8;
	[tilespmem:$0x10400] =	vst v63  }
0xaa: {  	s22 =	rddreg [dreg:$0x7]  }
0xab: {  	[hbm4b:s11+s2] =	stream.indirect_vreg.scatter [tilespmem:s22], [sflag:$0x1], $0x80, v4, vm0, $0xb8;
	[tilespmem:$0x10400] =	vst v63  }
0xac: {  	s5 =	rddreg [dreg:$0x8]  }
0xad: {  	[hbm4b:s12+s2] =	stream.indirect_vreg.scatter [tilespmem:s5], [sflag:$0x1], $0x80, v4, vm0, $0xb8;
	[tilespmem:$0x10400] =	vst v63  }
0xae: {  	s22 =	rddreg [dreg:$0x9]  }
0xaf: {  	[hbm4b:s13+s2] =	stream.indirect_vreg.scatter [tilespmem:s22], [sflag:$0x1], $0x80, v4, vm0, $0xb8;
	[tilespmem:$0x10400] =	vst v63  }
0xb0: {  	s5 =	rddreg [dreg:$0xa]  }
0xb1: {  	[hbm4b:s14+s2] =	stream.indirect_vreg.scatter [tilespmem:s5], [sflag:$0x1], $0x80, v4, vm0, $0xb8;
	[tilespmem:$0x10400] =	vst v63  }
0xb2: {  	s22 =	rddreg [dreg:$0xb]  }
0xb3: {  	[hbm4b:s15+s2] =	stream.indirect_vreg.scatter [tilespmem:s22], [sflag:$0x1], $0x80, v4, vm0, $0xb8;
	[tilespmem:$0x10400] =	vst v63  }
0xb4: {  	s5 =	rddreg [dreg:$0xc]  }
0xb5: {  	[hbm4b:s16+s2] =	stream.indirect_vreg.scatter [tilespmem:s5], [sflag:$0x1], $0x80, v4, vm0, $0xb8;
	[tilespmem:$0x10400] =	vst v63  }
0xb6: {  	s22 =	rddreg [dreg:$0xd]  }
0xb7: {  	[hbm4b:s17+s2] =	stream.indirect_vreg.scatter [tilespmem:s22], [sflag:$0x1], $0x80, v4, vm0, $0xb8;
	[tilespmem:$0x10400] =	vst v63  }
0xb8: {  	s5 =	rddreg [dreg:$0xe]  }
0xb9: {  	[hbm4b:s18+s2] =	stream.indirect_vreg.scatter [tilespmem:s5], [sflag:$0x1], $0x80, v4, vm0, $0xb8;
	[tilespmem:$0x10400] =	vst v63  }
0xba: {  	v3 =	vperm.xlane v3, v2;
	s22 =	rddreg [dreg:$0xf]  }
0xbb: {  	[hbm4b:s19+s2] =	stream.indirect_vreg.scatter [tilespmem:s22], [sflag:$0x1], $0x80, v4, vm0, $0xb8;
	[tilespmem:$0x10400] =	vst v63  }
0xbc: {  	v3 =	vadd.s32 v1, v3;
	s5 =	rddreg [dreg:$0x10]  }
0xbd: {  	[hbm4b:s20+s2] =	stream.indirect_vreg.scatter [tilespmem:s5], [sflag:$0x1], $0x80, v4, vm0, $0xb8;
	[tilespmem:$0x10400] =	vst v63  }
0xbe: {  	s22 =	rddreg [dreg:$0x11]  }
0xbf: {  	[hbm4b:s21+s2] =	stream.indirect_vreg.scatter [tilespmem:s22], [sflag:$0x1], $0x80, v4, vm0, $0xb8;
	[tilespmem:$0x10400] =	vst v63  }
0xc0: {  	s5 =	rddreg [dreg:$0x12]  }
0xc1: {  	[hbm4b:s4+s2] =	stream.indirect_vreg.scatter [tilespmem:s5], [sflag:$0x1], $0x80, v3, vm0, $0xb8;
	[tilespmem:$0x10400] =	vst v63  }
0xc2: {  	s22 =	rddreg [dreg:$0x13]  }
0xc3: {  	[hbm4b:s7+s2] =	stream.indirect_vreg.scatter [tilespmem:s22], [sflag:$0x1], $0x80, v3, vm0, $0xb8;
	[tilespmem:$0x10400] =	vst v63  }
0xc4: {  	s5 =	rddreg [dreg:$0x14]  }
0xc5: {  	[hbm4b:s8+s2] =	stream.indirect_vreg.scatter [tilespmem:s5], [sflag:$0x1], $0x80, v3, vm0, $0xb8;
	[tilespmem:$0x10400] =	vst v63  }
0xc6: {  	s22 =	rddreg [dreg:$0x15]  }
0xc7: {  	[hbm4b:s9+s2] =	stream.indirect_vreg.scatter [tilespmem:s22], [sflag:$0x1], $0x80, v3, vm0, $0xb8;
	[tilespmem:$0x10400] =	vst v63  }
0xc8: {  	s5 =	rddreg [dreg:$0x16]  }
0xc9: {  	[hbm4b:s10+s2] =	stream.indirect_vreg.scatter [tilespmem:s5], [sflag:$0x1], $0x80, v3, vm0, $0xb8;
	[tilespmem:$0x10400] =	vst v63  }
0xca: {  	s22 =	rddreg [dreg:$0x17]  }
0xcb: {  	[hbm4b:s11+s2] =	stream.indirect_vreg.scatter [tilespmem:s22], [sflag:$0x1], $0x80, v3, vm0, $0xb8;
	[tilespmem:$0x10400] =	vst v63  }
0xcc: {  	s5 =	rddreg [dreg:$0x18]  }
0xcd: {  	[hbm4b:s12+s2] =	stream.indirect_vreg.scatter [tilespmem:s5], [sflag:$0x1], $0x80, v3, vm0, $0xb8;
	[tilespmem:$0x10400] =	vst v63  }
0xce: {  	s22 =	rddreg [dreg:$0x19]  }
0xcf: {  	[hbm4b:s13+s2] =	stream.indirect_vreg.scatter [tilespmem:s22], [sflag:$0x1], $0x80, v3, vm0, $0xb8;
	[tilespmem:$0x10400] =	vst v63  }
0xd0: {  	s5 =	rddreg [dreg:$0x1a]  }
0xd1: {  	[hbm4b:s14+s2] =	stream.indirect_vreg.scatter [tilespmem:s5], [sflag:$0x1], $0x80, v3, vm0, $0xb8;
	[tilespmem:$0x10400] =	vst v63  }
0xd2: {  	s22 =	rddreg [dreg:$0x1b]  }
0xd3: {  	[hbm4b:s15+s2] =	stream.indirect_vreg.scatter [tilespmem:s22], [sflag:$0x1], $0x80, v3, vm0, $0xb8;
	[tilespmem:$0x10400] =	vst v63  }
0xd4: {  	_ = 	snop  }
0xd5: {  	[hbm4b:s16+s2] =	stream.indirect_vreg.scatter [tilespmem:s30], [sflag:$0x1], $0x80, v3, vm0, $0xb8;
	[tilespmem:$0x10400] =	vst v63  }
0xd6: {  	_ = 	snop  }
0xd7: {  	[hbm4b:s17+s2] =	stream.indirect_vreg.scatter [tilespmem:s31], [sflag:$0x1], $0x80, v3, vm0, $0xb8;
	[tilespmem:$0x10400] =	vst v63  }
0xd8: {  	_ = 	snop  }
0xd9: {  	[hbm4b:s18+s2] =	stream.indirect_vreg.scatter [tilespmem:s1], [sflag:$0x1], $0x80, v3, vm0, $0xb8;
	[tilespmem:$0x10400] =	vst v63  }
0xda: {  	_ = 	snop  }
0xdb: {  	[hbm4b:s19+s2] =	stream.indirect_vreg.scatter [tilespmem:s0], [sflag:$0x1], $0x80, v3, vm0, $0xb8;
	[tilespmem:$0x10400] =	vst v63  }
0xdc: {  	p0 =	sne.s32 s6, $0x3C0  }
0xdd: {  	[hbm4b:s20+s2] =	stream.indirect_vreg.scatter [tilespmem:s25], [sflag:$0x1], $0x80, v3, vm0, $0xb8;
	[tilespmem:$0x10400] =	vst v63  }
.Ltmp1:
0xde: {  	_ = 	snop;
	(pc) =	sbr.rel @p0 .LBB2_4-.Ltmp1, $4  }
0xdf: {  	_ = 	snop  }
0xe0: {  	[hbm4b:s21+s2] =	stream.indirect_vreg.scatter [tilespmem:s26], [sflag:$0x1], $0x80, v3, vm0, $0xb8;
	[tilespmem:$0x10400] =	vst v63  }
0xe1: {  	_ =	swait.ge [sflag:s3], $0x10000  }
0xe2: {  	s6 =	sadd.s32 $0x40, s6;
	[sflag:s3] =	ssyncset.done $0x0  }
0xe3: {  	s6 =	sld [smem:$0x7FC];
	_ =	sdelay $0x2  }
0xe4: {  	s5 =	rddreg [dreg:$0x1f];
	s6 =	sadd.s32 $0x1, s6  }
0xe5: {  	p0 =	sne.s32 s6, s5  }
.Ltmp2:
0xe6: {  	_ = 	snop;
	(pc) =	sbr.rel @p0 .LBB2_1-.Ltmp2, $2  }
0xe7: {  	_ =	sdelay $0x2  }
0xe8: {  	[sflag:s3] =	ssyncadd.s32 $0xFFFF0000  }
0xe9: {  	_ =	sfence.sel $0x180000  }
0xea: {  	[bflag:$0x0] =	sbarrier.arrive $0xFFFF  }
0xeb: {  	_ =	strace $0x90000047  }
0xec: {  	s0 =	stileid.u32;
	[bflag:$0x2] =	sbarrier.arrive $0xFFFF  }
0xed: {  	p0 =	sne.s32 s0, $0x0;
	s0 =	rddreg [dreg:$0x2]  }
0xee: {  	s0 =	sadd.s32 @!p0 $0x100000, s0  }
0xef: {  	[sflag:s0] =	ssyncadd.tile.s32 @!p0 $0x1;
	_ =	shalt  }
.Lfunc_end2:
_tile_overlayer_lowered:
.L_overlay_start_2:
0xf0: {  	(tag) =	ssettag $0x2  }
0xf1: {  	s0 =	rddreg [dreg:$0x0];
	s2 =	stileid.u32  }
0xf2: {  	s1 =	rddreg [dreg:$0x1];
	p0 =	sne.s32 s2, $0x0  }
0xf3: {  	s3 =	rddreg [dreg:$0x2];
	[bflag:$0x3] =	sbarrier.arrive $0xFFFF;
	s2 =	simm.s32 @!p0 $0x1C02  }
0xf4: {  	[timem:s3], [sflag:s2] =	dma.local @!p0 [hbm:s0], s1  }
0xf5: {  	s0 =	simm.s32 @!p0 $0x2  }
0xf6: {  	_ =	swait.ge @!p0 [sflag:s0], s1  }
0xf7: {  	s1 =	ssub.s32 @!p0 $0x0, s1;
	[sflag:s0] =	ssyncset.done @!p0 $0x0  }
0xf8: {  	[sflag:s0] =	ssyncadd.s32 @!p0 s1  }
0xf9: {  	[bflag:$0x3] =	sbarrier.arrive $0xFFFF  }
0xfa: {  	_ =	shalt  }

// kernel: kernel.9.cloned.1.call-start
scs
__scs_entry_jumppad:
0x0: {  	(pc) =	sbr.rel $0x88, $3  }
0x1: {  	(tag) =	ssettag $0x0;
	lr =	simm.s32 $0x1  }
0x2: {  	[smem:$0x3F90] =	sst lr;
	_ =	strace $0xD0000000  }
0x3: {  	_ = 	snop  }
0x4: {  	_ = 	snop  }
0x5: {  	_ = 	snop  }
0x6: {  	_ = 	snop  }
0x7: {  	_ = 	snop  }
__scs_overlays_trampoline_lowered:
0x8: {  	[smem:$0x3F9F] =	sst s0  }
0x9: {  	[smem:$0x3FA0] =	sst s1  }
0xa: {  	[smem:$0x3FA1] =	sst s2  }
0xb: {  	[smem:$0x3FA2] =	sst s3  }
0xc: {  	[smem:$0x3FA3] =	sst s4  }
0xd: {  	[smem:$0x3FA4] =	sst s5  }
0xe: {  	[smem:$0x3FA5] =	sst s6  }
0xf: {  	[smem:$0x3FA6] =	sst s7  }
0x10: {  	[smem:$0x3FA7] =	sst s8  }
0x11: {  	[smem:$0x3FA8] =	sst s9;
	s0 =	simm.s32 @!p0 $0x0  }
0x12: {  	s1 =	sld [smem:$0x3F8E];
	s0 =	simm.s32 @p0 $0x1  }
0x13: {  	[smem:$0x3FA9] =	sst s0;
	s0 =	simm.s32 @!p1 $0x0  }
0x14: {  	s2 =	sld [smem:$0x3F8D];
	s0 =	simm.s32 @p1 $0x1  }
0x15: {  	[smem:$0x3FAA] =	sst s0;
	s0 =	simm.s32 @!p2 $0x0  }
0x16: {  	s3 =	sld [smem:$0x3FDB];
	s0 =	simm.s32 @p2 $0x1  }
0x17: {  	s4 =	simm.s32 $0x1BF5;
	[smem:$0x3FAC] =	sst s0  }
0x18: {  	s0 =	sld [smem:$0x3F8F];
	_ =	swait.ge [sflag:s4], $0x0  }
0x19: {  	s7 =	sld [smem:$0x3F90]  }
0x1a: {  	s8 =	sadd.s32 $0xFFFFE003, lr  }
0x1b: {  	s9 =	sadd.s32 $0xFFFFFEF7, lr;
	s5 =	simm.s32 $0xFFFFFFFF;
	p2 =	slt.u32 s8, $0xFFFFF086  }
0x1c: {  	p1 =	slt.u32 s9, $0xF7A;
	s5 =	simm.s32 @!p2 $0x0  }
0x1d: {  	s5 =	simm.s32 @p1 $0x1;
	p0 =	seq.s32 s7, s2  }
0x1e: {  	s7 =	smul.u32 @!p0 $0xF7A, s2;
	p2 =	seq.s32 @!p0 s5, $0x0  }
0x1f: {  	s9 =	smul.u32 $0xF7A, s1;
	s8 =	simm.s32 @!p0 $0x1BF5;
	p2 =	por !p2, p0  }
0x20: {  	[sflag:s8] =	ssyncset.s32 @!p0 $0xFFFFF086;
	s6 =	sadd.s32 @!p0 s3, s7;
	s7 =	simm.s32 @!p0 $0x108  }
0x21: {  	s3 =	sadd.s32 s3, s9;
	s6 =	sadd.s32 @!p0 $0x88, s6;
	s7 =	simm.s32 @p2 $0x1082  }
0x22: {  	[simem:s7], [sflag:s8] =	dma.local @!p0 [hbm:s6], $0xF7A  }
0x23: {  	s9 =	sor.u32 $0xD0000000, s2;
	s6 =	simm.s32 $0x108;
	_ =	swait.ge @!p0 [sflag:s8], $0x0  }
0x24: {  	s3 =	sadd.s32 $0x88, s3;
	s6 =	simm.s32 @!p1 $0x1082;
	[sflag:s4] =	ssyncset.s32 $0xFFFFF086  }
0x25: {  	[simem:s6], [sflag:s4] =	dma.local [hbm:s3], $0xF7A  }
0x26: {  	[smem:$0x3F90] =	sst s1;
	(tag) =	ssettag s2;
	_ =	strace s9  }
0x27: {  	s1 =	sld [smem:$0x3FA0]  }
0x28: {  	s2 =	sld [smem:$0x3FA1]  }
0x29: {  	s4 =	sld [smem:$0x3FA3]  }
0x2a: {  	p0 =	seq.s32 s5, $0x0;
	s5 =	sld [smem:$0x3FA4]  }
0x2b: {  	s6 =	sld [smem:$0x3FA5]  }
0x2c: {  	s7 =	sld [smem:$0x3FA6]  }
0x2d: {  	s3 =	simm.s32 $0x108;
	s8 =	sld [smem:$0x3FA7]  }
0x2e: {  	s3 =	simm.s32 @!p0 $0x1082;
	s9 =	sld [smem:$0x3FA8]  }
0x2f: {  	lr =	sadd.s32 s0, s3;
	s0 =	sld [smem:$0x3F9F]  }
0x30: {  	s3 =	sld [smem:$0x3FA2]  }
0x31: {  	[smem:$0x3FAB] =	sst s10  }
0x32: {  	s10 =	sld [smem:$0x3FA9];
	_ =	sdelay $0x3  }
0x33: {  	p0 =	seq.s32 s10, $0x1;
	s10 =	sld [smem:$0x3FAB];
	_ =	sdelay $0x3  }
0x34: {  	[smem:$0x3FAB] =	sst s10  }
0x35: {  	s10 =	sld [smem:$0x3FAA];
	_ =	sdelay $0x3  }
0x36: {  	p1 =	seq.s32 s10, $0x1;
	s10 =	sld [smem:$0x3FAB];
	_ =	sdelay $0x3  }
0x37: {  	[smem:$0x3FAB] =	sst s10  }
0x38: {  	s10 =	sld [smem:$0x3FAC]  }
0x39: {  	_ = 	snop;
	(pc) =	sbr.ind lr, $3  }
0x3a: {  	_ = 	snop  }
0x3b: {  	_ = 	snop  }
0x3c: {  	p2 =	seq.s32 s10, $0x1;
	s10 =	sld [smem:$0x3FAB]  }
0x3d: {  	_ =	shalt  }
0x3e: {  	_ =	shalt  }
0x3f: {  	_ =	shalt  }
0x40: {  	_ =	shalt  }
0x41: {  	_ =	shalt  }
0x42: {  	_ =	shalt  }
0x43: {  	_ =	shalt  }
0x44: {  	_ =	shalt  }
0x45: {  	_ =	shalt  }
0x46: {  	_ =	shalt  }
0x47: {  	_ =	shalt  }
0x48: {  	_ =	shalt  }
0x49: {  	_ =	shalt  }
0x4a: {  	_ =	shalt  }
0x4b: {  	_ =	shalt  }
0x4c: {  	_ =	shalt  }
0x4d: {  	_ =	shalt  }
0x4e: {  	_ =	shalt  }
0x4f: {  	_ =	shalt  }
0x50: {  	_ =	shalt  }
0x51: {  	_ =	shalt  }
0x52: {  	_ =	shalt  }
0x53: {  	_ =	shalt  }
0x54: {  	_ =	shalt  }
0x55: {  	_ =	shalt  }
0x56: {  	_ =	shalt  }
0x57: {  	_ =	shalt  }
0x58: {  	_ =	shalt  }
0x59: {  	_ =	shalt  }
0x5a: {  	_ =	shalt  }
0x5b: {  	_ =	shalt  }
0x5c: {  	_ =	shalt  }
0x5d: {  	_ =	shalt  }
0x5e: {  	_ =	shalt  }
0x5f: {  	_ =	shalt  }
0x60: {  	_ =	shalt  }
0x61: {  	_ =	shalt  }
0x62: {  	_ =	shalt  }
0x63: {  	_ =	shalt  }
0x64: {  	_ =	shalt  }
0x65: {  	_ =	shalt  }
0x66: {  	_ =	shalt  }
0x67: {  	_ =	shalt  }
0x68: {  	_ =	shalt  }
0x69: {  	_ =	shalt  }
0x6a: {  	_ =	shalt  }
0x6b: {  	_ =	shalt  }
0x6c: {  	_ =	shalt  }
0x6d: {  	_ =	shalt  }
0x6e: {  	_ =	shalt  }
0x6f: {  	_ =	shalt  }
0x70: {  	_ =	shalt  }
0x71: {  	_ =	shalt  }
0x72: {  	_ =	shalt  }
0x73: {  	_ =	shalt  }
0x74: {  	_ =	shalt  }
0x75: {  	_ =	shalt  }
0x76: {  	_ =	shalt  }
0x77: {  	_ =	shalt  }
0x78: {  	_ =	shalt  }
0x79: {  	_ =	shalt  }
0x7a: {  	_ =	shalt  }
0x7b: {  	_ =	shalt  }
0x7c: {  	_ =	shalt  }
0x7d: {  	_ =	shalt  }
0x7e: {  	_ =	shalt  }
0x7f: {  	_ =	shalt  }
0x80: {  	_ =	shalt  }
0x81: {  	_ =	shalt  }
0x82: {  	_ =	shalt  }
0x83: {  	_ =	shalt  }
0x84: {  	_ =	shalt  }
0x85: {  	_ =	shalt  }
0x86: {  	_ =	shalt  }
0x87: {  	_ =	shalt  }
.Lfunc_end0:
.L_simem_size_0:
called_computation.1_lowered:
.L_overlay_start_0:
0x88: {  	s2 =	sld [smem:$0x3FD9]  }
0x89: {  	s3 =	sld [smem:$0x3FFE];
	_ =	sdelay $0x1  }
0x8a: {  	s1 =	srdreg.scid  }
0x8b: {  	s0 =	sand.u32 $0x1, s1  }
0x8c: {  	s17 =	sshll.u32 s0, $0xA;
	s2 =	sadd.s32 s3, s2  }
0x8d: {  	s2 =	sadd.s32 s2, s17  }
0x8e: {  	[smem:$0x3FB7] =	sst s2  }
0x8f: {  	_ = 	snop  }
0x90: {  	s2 =	sld [smem:$0x3FD0];
	(tm) =	ssettm $0x1  }
0x91: {  	s18 =	sld [smem:$0x3FFB];
	_ =	sdelay $0x3  }
0x92: {  	_ =	strace s18  }
0x93: {  	s3 =	sld [smem:$0x3FFC];
	_ =	sdelay $0x3  }
0x94: {  	_ =	strace s3  }
0x95: {  	s3 =	sld [smem:$0x3FFD];
	_ =	sdelay $0x3  }
0x96: {  	_ =	strace s3  }
0x97: {  	_ =	strace $0x8FFFFFFF  }
0x98: {  	s19 =	sld [smem:$0x3FDB];
	_ =	sdelay $0x1  }
0x99: {  	s4 =	simm.s32 $_scs_section_size  }
0x9a: {  	s5 =	simm.s32 $_size__tile_overlayer_lowered;
	s6 =	simm.s32 $_tile_overlayer_lowered  }
0x9b: {  	s22 =	simm.s32 $0x1BFF;
	s21 =	sshll.u32 s6, $0x1;
	s3 =	sadd.s32 s4, s19  }
0x9c: {  	s7 =	simm.s32 $0x0;
	s20 =	sshll.u32 s5, $0x1;
	s5 =	sadd.s32 s21, s3  }
0x9d: {  	[timem:s7], [sflag:s22] =	dma.local [hbm:s5], s20  }
0x9e: {  	_ =	swait.ge [sflag:s22], s20  }
0x9f: {  	s4 =	ssub.s32 $0x0, s20;
	[sflag:s22] =	ssyncset.done $0x0  }
0xa0: {  	[sflag:s22] =	ssyncadd.s32 s4;
	_ =	sdelay $0x1  }
0xa1: {  	s23 =	simm.s32 $0x1B8B  }
0xa2: {  	_ =	swait.ge [sflag:s23], $0x1  }
0xa3: {  	[sflag:s23] =	ssyncset.done $0x0  }
0xa4: {  	s25 =	simm.s32 $0x1B8E;
	s24 =	sld [smem:$0x3FFE];
	[sflag:s23] =	ssyncadd.s32 $0xFFFFFFFF  }
0xa5: {  	s26 =	simm.s32 $execute0_lowered;
	[smem:$0x3FD2] =	sst s25  }
0xa6: {  	s5 =	sshll.u32 s26, $0x1;
	_ =	strace $0x80000049;
	[dreg:$0x1] =	wrdreg $0xFFFFFFFF  }
0xa7: {  	s28 =	simm.s32 $_size_execute0_lowered;
	s3 =	sadd.s32 s3, s5;
	[dreg:$0x0] =	wrdreg $0x0  }
0xa8: {  	s5 =	sshll.u32 s28, $0x1;
	[dreg:$0x2] =	wrdreg s3  }
0xa9: {  	[dreg:$0x3] =	wrdreg s5  }
0xaa: {  	[dreg:$0x4] =	wrdreg $0xC0  }
0xab: {  	_ =	task [dreg:s7], $0x5FFFF  }
0xac: {  	[dreg:$0x1] =	wrdreg $0xFFFFFFFF  }
0xad: {  	[dreg:$0x0] =	wrdreg $0x60  }
0xae: {  	[dreg:$0x2] =	wrdreg s24  }
0xaf: {  	[dreg:$0x3] =	wrdreg s2  }
0xb0: {  	[dreg:$0x4] =	wrdreg $0x9  }
0xb1: {  	_ =	task.clear_ibuf [dreg:s7], $0x5FFFF;
	_ =	strace $0x90000049  }
0xb2: {  	s29 =	simm.s32 $0x9;
	_ =	strace $0x8000004B  }
0xb3: {  	_ =	swait.ge [sflag:s29], $0x1  }
0xb4: {  	[sflag:s29] =	ssyncadd.s32 $0xFFFFFFFF  }
0xb5: {  	_ =	strace $0x9000004B  }
0xb6: {  	_ =	sfence  }
0xb7: {  	s30 =	sld [smem:$0x0];
	_ =	sdelay $0x2  }
0xb8: {  	s31 =	sshll.u32 s1, $0xD;
	s1 =	sshrl.u32 s1, $0x2  }
0xb9: {  	s3 =	sand.u32 $0x4000, s31;
	s1 =	sadd.s32 s1, s30  }
0xba: {  	s0 =	sor.u32 s3, s0;
	s1 =	sshll.u32 s1, $0x11  }
0xbb: {  	s0 =	sor.u32 s1, s0  }
0xbc: {  	s0 =	sadd.s32 $0x8F2B, s0  }
0xbd: {  	[sflag:s0] =	ssyncadd.remote.s32 $0x1  }
0xbe: {  	_ =	sfence.sel $0xFFFF  }
0xbf: {  	[dreg:$0x0] =	wrdreg $0xFFFFFFFF;
	(pc) =	sbr.abs _section_cstart, $3  }
0xc0: {  	[dreg:$0x1] =	wrdreg $0xFFFFFFFF  }
0xc1: {  	_ =	task.clear_ibuf [dreg:s7], $0x2FFFF;
	_ =	strace $0x9FFFFFFF  }
0xc2: {  	(tm) =	ssettm $0x7FFFFFFF  }
0xc3: {  	_ =	shalt  }
tec
execute0_lowered:
.L_overlay_start_1:
0x0: {  	(tag) =	ssettag $0x1  }
0x1: {  	s0 =	rddreg [dreg:$0x0]  }
0x2: {  	s1 =	rddreg [dreg:$0x1]  }
0x3: {  	s2 =	srdreg.scid;
	s3 =	stileid.u32;
	s10 =	simm.s32 $0x3  }
0x4: {  	s13 =	simm.s32 $0x300;
	s14 =	simm.s32 $0x400;
	s31 =	simm.s32 $0x8400  }
0x5: {  	s11 =	simm.s32 $0x9C00;
	s12 =	simm.s32 $0xA400;
	s15 =	simm.s32 $0xAC00  }
0x6: {  	s16 =	simm.s32 $0xB400;
	s17 =	simm.s32 $0xBC00;
	s18 =	simm.s32 $0xC400  }
0x7: {  	s19 =	simm.s32 $0xCC00;
	s20 =	simm.s32 $0xD400;
	s21 =	simm.s32 $0xDC00  }
0x8: {  	s22 =	simm.s32 $0xE400;
	s23 =	simm.s32 $0xEC00;
	s24 =	simm.s32 $0xF400  }
0x9: {  	s25 =	simm.s32 $0xFC00;
	s28 =	simm.s32 $0x2;
	s29 =	simm.s32 $0x0  }
0xa: {  	s4 =	sand.u32 $0x1, s2;
	s2 =	simm.s32 $0x0;
	s3 =	sshll.u32 s3, $0x9  }
0xb: {  	s5 =	sshll.u32 s4, $0x8;
	[smem:$0x7FF] =	sst s2;
	s26 =	ssub.s32 $0x2, s4  }
0xc: {  	s4 =	sadd.s32 $0x1C00, s0;
	s5 =	sor.u32 s5, s3;
	_ =	strace $0x8000004A  }
0xd: {  	s3 =	sadd.s32 $0x2600, s0;
	s30 =	sshrl.u32 s26, $0x1;
	s6 =	sshrl.u32 s5, $0x3  }
0xe: {  	v2 =	vlaneseq.u32;
	s8 =	sshll.u32 s5, $0x5;
	s7 =	sadd.s32 s6, s0;
	s0 =	ssub.s32 s26, s30  }
0xf: {  	vm0 =	vmmov $0xffff;
	v1 =	vshrl.u32 v2, $0x3;
	s6 =	sadd.s32 s1, s8;
	s26 =	simm.s32 $0x1;
	s5 =	sadd.s32 $0x1E00, s7  }
0x10: {  	v0 =	vand.u32 $0x7, v2;
	v2 =	vor.u32 $0x8, v2;
	v1 =	vmul.u32 $0x8, v1;
	s7 =	sadd.s32 $0x2200, s7;
	s8 =	sadd.s32 $0x1000, s6;
	s9 =	smax.u32 s0, $0x1  }
.LBB2_1:
0x11: {  	[tilespmem:s2], [sflag:$0x3] =	stream.linear.gather [hbm4b:s5+s2], $0x100, $0x38;
	[tilespmem:$0x10400] =	vst v63  }
0x12: {  	_ =	swait.ge [sflag:s10], $0x100  }
0x13: {  	[sflag:s10] =	ssyncset.done $0x0  }
0x14: {  	s0 =	simm.s32 $0x100;
	[sflag:s10] =	ssyncadd.s32 $0xFFFFFF00  }
0x15: {  	[tilespmem:s0], [sflag:$0x3] =	stream.linear.gather [hbm4b:s7+s2], $0x100, $0x38;
	[tilespmem:$0x10400] =	vst v63  }
0x16: {  	_ =	swait.ge [sflag:s10], $0x100  }
0x17: {  	[sflag:s10] =	ssyncset.done $0x0  }
0x18: {  	s1 =	simm.s32 $0x380;
	[sflag:s10] =	ssyncadd.s32 $0xFFFFFF00  }
0x19: {  	[tilespmem:s1], [sflag:$0x3] =	stream.linear.gather [hbm4b:s4+s2], $0x80, $0x38;
	[tilespmem:$0x10400] =	vst v63  }
0x1a: {  	_ =	swait.ge [sflag:s10], $0x80  }
0x1b: {  	[sflag:s10] =	ssyncset.done $0x0  }
0x1c: {  	[sflag:s10] =	ssyncadd.s32 $0xFFFFFF80  }
0x1d: {  	v3 =	vld [tilespmem:$0x380];
	_ =	sdelay $0x4  }
0x1e: {  	v3 =	vadd.s32 $0x1FF, v3  }
0x1f: {  	v3 =	vshra.s32 v3, $0x9  }
0x20: {  	(xrf0) =	vadd.scan.msk.s32 $0xffff, v3;
	_ =	sdelay $0x5  }
0x21: {  	v4, _, _ =	vpop (xrf0)  }
0x22: {  	v3 =	vsub.s32 v4, v3  }
0x23: {  	v3 =	vshll.u32 v3, $0x9  }
0x24: {  	s30 =	simm.s32 $0x0;
	[tilespmem:$0x300] =	vst v3  }
0x25: {  	v4 =	vld [tilespmem:s30+$0x0];
	_ =	sdelay $0x6  }
0x26: {  	v3 =	vld [tilespmem:s30+$0x100]  }
0x27: {  	s0 =	simm.s32 $0x10;
	s1 =	simm.s32 $0x80;
	v4 =	vld.idx.msk [tilespmem:v4+s13+$0x0], $0xffff  }
.LBB2_2:
0x28: {  	p0 =	sne.s32 s1, $0x3C0;
	v5 =	vld [tilespmem:s0+$0x0];
	_ =	sdelay $0x3  }
.Ltmp0:
0x29: {  	(pc) =	sbr.rel @p0 .LBB2_2-.Ltmp0, $4  }
0x2a: {  	v3 =	vadd.s32 v4, v3  }
0x2b: {  	[tilespmem:s30+$0x200] =	vst v3;
	s30 =	smov.u32 s0  }
0x2c: {  	v3 =	vld [tilespmem:s30+$0x100]  }
0x2d: {  	s0 =	sshra.s32 s1, $0x2;
	s1 =	sadd.s32 $0x40, s1;
	v4 =	vld.idx.msk [tilespmem:v5+s13+$0x0], $0xffff  }
0x2e: {  	v5 =	vld [tilespmem:s0+$0x0];
	_ =	sdelay $0x4  }
0x2f: {  	v3 =	vadd.s32 v4, v3  }
0x30: {  	[tilespmem:s30+$0x200] =	vst v3  }
0x31: {  	v3 =	vld [tilespmem:s0+$0x100]  }
0x32: {  	v47 =	vld.idx.msk [tilespmem:v5+s13+$0x0], $0xffff;
	_ =	sdelay $0x4  }
0x33: {  	v3 =	vadd.s32 v47, v3  }
0x34: {  	[tilespmem:s0+$0x200] =	vst v3  }
0x35: {  	v3 =	vld [tilespmem:$0x200];
	_ =	sdelay $0x4  }
0x36: {  	v48 =	vshll.u32 v3, $0x1  }
0x37: {  	v3 =	vand.u32 $0x7, v3;
	v4 =	vand.u32 $0xFFFFFFF0, v48  }
0x38: {  	v3 =	vor.u32 v3, v4  }
0x39: {  	v4 =	vperm.xlane v3, v0;
	_ =	sdelay $0x1  }
0x3a: {  	v3 =	vperm.xlane v3, v2;
	v4 =	vadd.s32 v1, v4;
	_ =	sdelay $0x1  }
0x3b: {  	v3 =	vadd.s32 v1, v3;
	_ =	sdelay $0x2  }
0x3c: {  	[tilespmem:s14], [sflag:$0x1] =	stream.indirect_vreg.gather [hbm4b:s3+s2], $0x80, v4, vm0, $0xb8;
	[tilespmem:$0x10400] =	vst v63  }
0x3d: {  	s30 =	simm.s32 $0xC00  }
0x3e: {  	[tilespmem:s30], [sflag:$0x1] =	stream.indirect_vreg.gather [hbm4b:s3+s2], $0x80, v3, vm0, $0xb8;
	[tilespmem:$0x10400] =	vst v63  }
0x3f: {  	v3 =	vld [tilespmem:$0x210];
	_ =	sdelay $0x4  }
0x40: {  	v49 =	vshll.u32 v3, $0x1  }
0x41: {  	v3 =	vand.u32 $0x7, v3;
	v4 =	vand.u32 $0xFFFFFFF0, v49  }
0x42: {  	v3 =	vor.u32 v3, v4  }
0x43: {  	v4 =	vperm.xlane v3, v0;
	_ =	sdelay $0x1  }
0x44: {  	v3 =	vperm.xlane v3, v2;
	v4 =	vadd.s32 v1, v4;
	_ =	sdelay $0x1  }
0x45: {  	v3 =	vadd.s32 v1, v3;
	_ =	sdelay $0x1  }
0x46: {  	s1 =	simm.s32 $0x1400  }
0x47: {  	[tilespmem:s1], [sflag:$0x1] =	stream.indirect_vreg.gather [hbm4b:s3+s2], $0x80, v4, vm0, $0xb8;
	[tilespmem:$0x10400] =	vst v63  }
0x48: {  	s30 =	simm.s32 $0x1C00  }
0x49: {  	[tilespmem:s30], [sflag:$0x1] =	stream.indirect_vreg.gather [hbm4b:s3+s2], $0x80, v3, vm0, $0xb8;
	[tilespmem:$0x10400] =	vst v63  }
0x4a: {  	v3 =	vld [tilespmem:$0x220];
	_ =	sdelay $0x4  }
0x4b: {  	v50 =	vshll.u32 v3, $0x1  }
0x4c: {  	v3 =	vand.u32 $0x7, v3;
	v4 =	vand.u32 $0xFFFFFFF0, v50  }
0x4d: {  	v3 =	vor.u32 v3, v4  }
0x4e: {  	v4 =	vperm.xlane v3, v0;
	_ =	sdelay $0x1  }
0x4f: {  	v3 =	vperm.xlane v3, v2;
	v4 =	vadd.s32 v1, v4;
	_ =	sdelay $0x1  }
0x50: {  	v3 =	vadd.s32 v1, v3;
	_ =	sdelay $0x1  }
0x51: {  	s1 =	simm.s32 $0x2400  }
0x52: {  	[tilespmem:s1], [sflag:$0x1] =	stream.indirect_vreg.gather [hbm4b:s3+s2], $0x80, v4, vm0, $0xb8;
	[tilespmem:$0x10400] =	vst v63  }
0x53: {  	s30 =	simm.s32 $0x2C00  }
0x54: {  	[tilespmem:s30], [sflag:$0x1] =	stream.indirect_vreg.gather [hbm4b:s3+s2], $0x80, v3, vm0, $0xb8;
	[tilespmem:$0x10400] =	vst v63  }
0x55: {  	v3 =	vld [tilespmem:$0x230];
	_ =	sdelay $0x4  }
0x56: {  	v51 =	vshll.u32 v3, $0x1  }
0x57: {  	v3 =	vand.u32 $0x7, v3;
	v4 =	vand.u32 $0xFFFFFFF0, v51  }
0x58: {  	v3 =	vor.u32 v3, v4  }
0x59: {  	v4 =	vperm.xlane v3, v0;
	_ =	sdelay $0x1  }
0x5a: {  	v3 =	vperm.xlane v3, v2;
	v4 =	vadd.s32 v1, v4;
	_ =	sdelay $0x1  }
0x5b: {  	v3 =	vadd.s32 v1, v3;
	_ =	sdelay $0x1  }
0x5c: {  	s1 =	simm.s32 $0x3400  }
0x5d: {  	[tilespmem:s1], [sflag:$0x1] =	stream.indirect_vreg.gather [hbm4b:s3+s2], $0x80, v4, vm0, $0xb8;
	[tilespmem:$0x10400] =	vst v63  }
0x5e: {  	s30 =	simm.s32 $0x3C00  }
0x5f: {  	[tilespmem:s30], [sflag:$0x1] =	stream.indirect_vreg.gather [hbm4b:s3+s2], $0x80, v3, vm0, $0xb8;
	[tilespmem:$0x10400] =	vst v63  }
0x60: {  	v3 =	vld [tilespmem:$0x240];
	_ =	sdelay $0x4  }
0x61: {  	v52 =	vshll.u32 v3, $0x1  }
0x62: {  	v3 =	vand.u32 $0x7, v3;
	v4 =	vand.u32 $0xFFFFFFF0, v52  }
0x63: {  	v3 =	vor.u32 v3, v4  }
0x64: {  	v4 =	vperm.xlane v3, v0;
	_ =	sdelay $0x1  }
0x65: {  	v3 =	vperm.xlane v3, v2;
	v4 =	vadd.s32 v1, v4;
	_ =	sdelay $0x1  }
0x66: {  	v3 =	vadd.s32 v1, v3;
	_ =	sdelay $0x1  }
0x67: {  	s1 =	simm.s32 $0x4400  }
0x68: {  	[tilespmem:s1], [sflag:$0x1] =	stream.indirect_vreg.gather [hbm4b:s3+s2], $0x80, v4, vm0, $0xb8;
	[tilespmem:$0x10400] =	vst v63  }
0x69: {  	s30 =	simm.s32 $0x4C00  }
0x6a: {  	[tilespmem:s30], [sflag:$0x1] =	stream.indirect_vreg.gather [hbm4b:s3+s2], $0x80, v3, vm0, $0xb8;
	[tilespmem:$0x10400] =	vst v63  }
0x6b: {  	v3 =	vld [tilespmem:$0x250];
	_ =	sdelay $0x4  }
0x6c: {  	v53 =	vshll.u32 v3, $0x1  }
0x6d: {  	v3 =	vand.u32 $0x7, v3;
	v4 =	vand.u32 $0xFFFFFFF0, v53  }
0x6e: {  	v3 =	vor.u32 v3, v4  }
0x6f: {  	v4 =	vperm.xlane v3, v0;
	_ =	sdelay $0x1  }
0x70: {  	v3 =	vperm.xlane v3, v2;
	v4 =	vadd.s32 v1, v4;
	_ =	sdelay $0x1  }
0x71: {  	v3 =	vadd.s32 v1, v3;
	_ =	sdelay $0x1  }
0x72: {  	s1 =	simm.s32 $0x5400  }
0x73: {  	[tilespmem:s1], [sflag:$0x1] =	stream.indirect_vreg.gather [hbm4b:s3+s2], $0x80, v4, vm0, $0xb8;
	[tilespmem:$0x10400] =	vst v63  }
0x74: {  	s30 =	simm.s32 $0x5C00  }
0x75: {  	[tilespmem:s30], [sflag:$0x1] =	stream.indirect_vreg.gather [hbm4b:s3+s2], $0x80, v3, vm0, $0xb8;
	[tilespmem:$0x10400] =	vst v63  }
0x76: {  	v3 =	vld [tilespmem:$0x260];
	_ =	sdelay $0x4  }
0x77: {  	v54 =	vshll.u32 v3, $0x1  }
0x78: {  	v3 =	vand.u32 $0x7, v3;
	v4 =	vand.u32 $0xFFFFFFF0, v54  }
0x79: {  	v3 =	vor.u32 v3, v4  }
0x7a: {  	v4 =	vperm.xlane v3, v0;
	_ =	sdelay $0x1  }
0x7b: {  	v3 =	vperm.xlane v3, v2;
	v4 =	vadd.s32 v1, v4;
	_ =	sdelay $0x1  }
0x7c: {  	v3 =	vadd.s32 v1, v3;
	_ =	sdelay $0x1  }
0x7d: {  	s1 =	simm.s32 $0x6400  }
0x7e: {  	[tilespmem:s1], [sflag:$0x1] =	stream.indirect_vreg.gather [hbm4b:s3+s2], $0x80, v4, vm0, $0xb8;
	[tilespmem:$0x10400] =	vst v63  }
0x7f: {  	s30 =	simm.s32 $0x6C00  }
0x80: {  	[tilespmem:s30], [sflag:$0x1] =	stream.indirect_vreg.gather [hbm4b:s3+s2], $0x80, v3, vm0, $0xb8;
	[tilespmem:$0x10400] =	vst v63  }
0x81: {  	v3 =	vld [tilespmem:$0x270];
	_ =	sdelay $0x4  }
0x82: {  	v55 =	vshll.u32 v3, $0x1  }
0x83: {  	v3 =	vand.u32 $0x7, v3;
	v4 =	vand.u32 $0xFFFFFFF0, v55  }
0x84: {  	v3 =	vor.u32 v3, v4  }
0x85: {  	v4 =	vperm.xlane v3, v0;
	_ =	sdelay $0x1  }
0x86: {  	v3 =	vperm.xlane v3, v2;
	v4 =	vadd.s32 v1, v4;
	_ =	sdelay $0x1  }
0x87: {  	v3 =	vadd.s32 v1, v3;
	_ =	sdelay $0x1  }
0x88: {  	s1 =	simm.s32 $0x7400  }
0x89: {  	[tilespmem:s1], [sflag:$0x1] =	stream.indirect_vreg.gather [hbm4b:s3+s2], $0x80, v4, vm0, $0xb8;
	[tilespmem:$0x10400] =	vst v63  }
0x8a: {  	s30 =	simm.s32 $0x7C00  }
0x8b: {  	[tilespmem:s30], [sflag:$0x1] =	stream.indirect_vreg.gather [hbm4b:s3+s2], $0x80, v3, vm0, $0xb8;
	[tilespmem:$0x10400] =	vst v63  }
0x8c: {  	v3 =	vld [tilespmem:$0x280];
	_ =	sdelay $0x4  }
0x8d: {  	v56 =	vshll.u32 v3, $0x1  }
0x8e: {  	v3 =	vand.u32 $0x7, v3;
	v4 =	vand.u32 $0xFFFFFFF0, v56  }
0x8f: {  	v3 =	vor.u32 v3, v4  }
0x90: {  	v4 =	vperm.xlane v3, v0;
	_ =	sdelay $0x1  }
0x91: {  	v3 =	vperm.xlane v3, v2;
	v4 =	vadd.s32 v1, v4;
	_ =	sdelay $0x1  }
0x92: {  	v3 =	vadd.s32 v1, v3;
	_ =	sdelay $0x2  }
0x93: {  	[tilespmem:s31], [sflag:$0x2] =	stream.indirect_vreg.gather [hbm4b:s3+s2], $0x80, v4, vm0, $0xb8;
	[tilespmem:$0x10400] =	vst v63  }
0x94: {  	s1 =	simm.s32 $0x8C00  }
0x95: {  	[tilespmem:s1], [sflag:$0x2] =	stream.indirect_vreg.gather [hbm4b:s3+s2], $0x80, v3, vm0, $0xb8;
	[tilespmem:$0x10400] =	vst v63  }
0x96: {  	v3 =	vld [tilespmem:$0x290];
	_ =	sdelay $0x4  }
0x97: {  	v57 =	vshll.u32 v3, $0x1  }
0x98: {  	v3 =	vand.u32 $0x7, v3;
	v4 =	vand.u32 $0xFFFFFFF0, v57  }
0x99: {  	v3 =	vor.u32 v3, v4  }
0x9a: {  	v4 =	vperm.xlane v3, v0;
	_ =	sdelay $0x1  }
0x9b: {  	v3 =	vperm.xlane v3, v2;
	v4 =	vadd.s32 v1, v4;
	_ =	sdelay $0x1  }
0x9c: {  	v3 =	vadd.s32 v1, v3;
	_ =	sdelay $0x1  }
0x9d: {  	s30 =	simm.s32 $0x9400  }
0x9e: {  	[tilespmem:s30], [sflag:$0x2] =	stream.indirect_vreg.gather [hbm4b:s3+s2], $0x80, v4, vm0, $0xb8;
	[tilespmem:$0x10400] =	vst v63  }
0x9f: {  	_ = 	snop  }
0xa0: {  	[tilespmem:s11], [sflag:$0x2] =	stream.indirect_vreg.gather [hbm4b:s3+s2], $0x80, v3, vm0, $0xb8;
	[tilespmem:$0x10400] =	vst v63  }
0xa1: {  	v3 =	vld [tilespmem:$0x2A0];
	_ =	sdelay $0x4  }
0xa2: {  	v58 =	vshll.u32 v3, $0x1  }
0xa3: {  	v3 =	vand.u32 $0x7, v3;
	v4 =	vand.u32 $0xFFFFFFF0, v58  }
0xa4: {  	v3 =	vor.u32 v3, v4  }
0xa5: {  	v4 =	vperm.xlane v3, v0;
	_ =	sdelay $0x1  }
0xa6: {  	v3 =	vperm.xlane v3, v2;
	v4 =	vadd.s32 v1, v4;
	_ =	sdelay $0x1  }
0xa7: {  	v3 =	vadd.s32 v1, v3;
	_ =	sdelay $0x2  }
0xa8: {  	[tilespmem:s12], [sflag:$0x2] =	stream.indirect_vreg.gather [hbm4b:s3+s2], $0x80, v4, vm0, $0xb8;
	[tilespmem:$0x10400] =	vst v63  }
0xa9: {  	_ = 	snop  }
0xaa: {  	[tilespmem:s15], [sflag:$0x2] =	stream.indirect_vreg.gather [hbm4b:s3+s2], $0x80, v3, vm0, $0xb8;
	[tilespmem:$0x10400] =	vst v63  }
0xab: {  	v3 =	vld [tilespmem:$0x2B0];
	_ =	sdelay $0x4  }
0xac: {  	v59 =	vshll.u32 v3, $0x1  }
0xad: {  	v3 =	vand.u32 $0x7, v3;
	v4 =	vand.u32 $0xFFFFFFF0, v59  }
0xae: {  	v3 =	vor.u32 v3, v4  }
0xaf: {  	v4 =	vperm.xlane v3, v0;
	_ =	sdelay $0x1  }
0xb0: {  	v3 =	vperm.xlane v3, v2;
	v4 =	vadd.s32 v1, v4;
	_ =	sdelay $0x1  }
0xb1: {  	v3 =	vadd.s32 v1, v3;
	_ =	sdelay $0x2  }
0xb2: {  	[tilespmem:s16], [sflag:$0x2] =	stream.indirect_vreg.gather [hbm4b:s3+s2], $0x80, v4, vm0, $0xb8;
	[tilespmem:$0x10400] =	vst v63  }
0xb3: {  	_ = 	snop  }
0xb4: {  	[tilespmem:s17], [sflag:$0x2] =	stream.indirect_vreg.gather [hbm4b:s3+s2], $0x80, v3, vm0, $0xb8;
	[tilespmem:$0x10400] =	vst v63  }
0xb5: {  	v3 =	vld [tilespmem:$0x2C0];
	_ =	sdelay $0x4  }
0xb6: {  	v60 =	vshll.u32 v3, $0x1  }
0xb7: {  	v3 =	vand.u32 $0x7, v3;
	v4 =	vand.u32 $0xFFFFFFF0, v60  }
0xb8: {  	v3 =	vor.u32 v3, v4  }
0xb9: {  	v4 =	vperm.xlane v3, v0;
	_ =	sdelay $0x1  }
0xba: {  	v3 =	vperm.xlane v3, v2;
	v4 =	vadd.s32 v1, v4;
	_ =	sdelay $0x1  }
0xbb: {  	v3 =	vadd.s32 v1, v3;
	_ =	sdelay $0x2  }
0xbc: {  	[tilespmem:s18], [sflag:$0x2] =	stream.indirect_vreg.gather [hbm4b:s3+s2], $0x80, v4, vm0, $0xb8;
	[tilespmem:$0x10400] =	vst v63  }
0xbd: {  	_ = 	snop  }
0xbe: {  	[tilespmem:s19], [sflag:$0x2] =	stream.indirect_vreg.gather [hbm4b:s3+s2], $0x80, v3, vm0, $0xb8;
	[tilespmem:$0x10400] =	vst v63  }
0xbf: {  	v3 =	vld [tilespmem:$0x2D0];
	_ =	sdelay $0x4  }
0xc0: {  	v61 =	vshll.u32 v3, $0x1  }
0xc1: {  	v3 =	vand.u32 $0x7, v3;
	v4 =	vand.u32 $0xFFFFFFF0, v61  }
0xc2: {  	v3 =	vor.u32 v3, v4  }
0xc3: {  	v4 =	vperm.xlane v3, v0;
	_ =	sdelay $0x1  }
0xc4: {  	v3 =	vperm.xlane v3, v2;
	v4 =	vadd.s32 v1, v4;
	_ =	sdelay $0x1  }
0xc5: {  	v3 =	vadd.s32 v1, v3;
	_ =	sdelay $0x2  }
0xc6: {  	[tilespmem:s20], [sflag:$0x2] =	stream.indirect_vreg.gather [hbm4b:s3+s2], $0x80, v4, vm0, $0xb8;
	[tilespmem:$0x10400] =	vst v63  }
0xc7: {  	_ = 	snop  }
0xc8: {  	[tilespmem:s21], [sflag:$0x2] =	stream.indirect_vreg.gather [hbm4b:s3+s2], $0x80, v3, vm0, $0xb8;
	[tilespmem:$0x10400] =	vst v63  }
0xc9: {  	v3 =	vld [tilespmem:$0x2E0];
	_ =	sdelay $0x4  }
0xca: {  	v62 =	vshll.u32 v3, $0x1  }
0xcb: {  	v3 =	vand.u32 $0x7, v3;
	v4 =	vand.u32 $0xFFFFFFF0, v62  }
0xcc: {  	v3 =	vor.u32 v3, v4  }
0xcd: {  	v4 =	vperm.xlane v3, v0;
	_ =	sdelay $0x1  }
0xce: {  	v3 =	vperm.xlane v3, v2;
	v4 =	vadd.s32 v1, v4;
	_ =	sdelay $0x1  }
0xcf: {  	v3 =	vadd.s32 v1, v3;
	_ =	sdelay $0x2  }
0xd0: {  	[tilespmem:s22], [sflag:$0x2] =	stream.indirect_vreg.gather [hbm4b:s3+s2], $0x80, v4, vm0, $0xb8;
	[tilespmem:$0x10400] =	vst v63  }
0xd1: {  	_ = 	snop  }
0xd2: {  	[tilespmem:s23], [sflag:$0x2] =	stream.indirect_vreg.gather [hbm4b:s3+s2], $0x80, v3, vm0, $0xb8;
	[tilespmem:$0x10400] =	vst v63  }
0xd3: {  	v3 =	vld [tilespmem:$0x2F0];
	_ =	sdelay $0x4  }
0xd4: {  	v63 =	vshll.u32 v3, $0x1  }
0xd5: {  	v3 =	vand.u32 $0x7, v3;
	v4 =	vand.u32 $0xFFFFFFF0, v63  }
0xd6: {  	v3 =	vor.u32 v3, v4  }
0xd7: {  	v4 =	vperm.xlane v3, v0;
	_ =	sdelay $0x1  }
0xd8: {  	v3 =	vperm.xlane v3, v2;
	v4 =	vadd.s32 v1, v4;
	_ =	sdelay $0x1  }
0xd9: {  	v3 =	vadd.s32 v1, v3;
	_ =	sdelay $0x2  }
0xda: {  	[tilespmem:s24], [sflag:$0x2] =	stream.indirect_vreg.gather [hbm4b:s3+s2], $0x80, v4, vm0, $0xb8;
	[tilespmem:$0x10400] =	vst v63  }
0xdb: {  	_ = 	snop  }
0xdc: {  	[tilespmem:s25], [sflag:$0x2] =	stream.indirect_vreg.gather [hbm4b:s3+s2], $0x80, v3, vm0, $0xb8;
	[tilespmem:$0x10400] =	vst v63  }
0xdd: {  	_ =	swait.ge [sflag:s26], $0x8000  }
0xde: {  	[sflag:s26] =	ssyncset.done $0x0  }
0xdf: {  	[sflag:s26] =	ssyncadd.s32 $0xFFFF8000  }
0xe0: {  	[hbm4b:s6+s2] =	stream.linear.scatter [tilespmem:s14], [sflag:$0x3], $0x8000, $0x38;
	[tilespmem:$0x10400] =	vst v63  }
0xe1: {  	_ =	swait.ge [sflag:s10], $0x8000  }
0xe2: {  	[sflag:s10] =	ssyncset.done $0x0  }
0xe3: {  	[sflag:s10] =	ssyncadd.s32 $0xFFFF8000  }
0xe4: {  	s29 =	sadd.s32 $0x1, s29;
	_ =	swait.ge [sflag:s28], $0x8000  }
0xe5: {  	p0 =	sne.s32 s29, s9;
	[sflag:s28] =	ssyncset.done $0x0  }
.Ltmp1:
0xe6: {  	[sflag:s28] =	ssyncadd.s32 $0xFFFF8000;
	(pc) =	sbr.rel @p0 .LBB2_1-.Ltmp1, $4  }
0xe7: {  	[hbm4b:s8+s2] =	stream.linear.scatter [tilespmem:s31], [sflag:$0x3], $0x8000, $0x38;
	[tilespmem:$0x10400] =	vst v63  }
0xe8: {  	_ =	swait.ge [sflag:s10], $0x8000  }
0xe9: {  	[sflag:s10] =	ssyncset.done $0x0  }
0xea: {  	[sflag:s10] =	ssyncadd.s32 $0xFFFF8000  }
0xeb: {  	_ =	sfence.sel $0x180000  }
0xec: {  	[bflag:$0x0] =	sbarrier.arrive $0xFFFF  }
0xed: {  	_ =	strace $0x9000004A  }
0xee: {  	s0 =	stileid.u32;
	[bflag:$0x2] =	sbarrier.arrive $0xFFFF  }
0xef: {  	p0 =	sne.s32 s0, $0x0;
	s0 =	rddreg [dreg:$0x2]  }
0xf0: {  	s0 =	sadd.s32 @!p0 $0x100000, s0  }
0xf1: {  	[sflag:s0] =	ssyncadd.tile.s32 @!p0 $0x1;
	_ =	shalt  }
.Lfunc_end2:
_tile_overlayer_lowered:
.L_overlay_start_2:
0xf2: {  	(tag) =	ssettag $0x2  }
0xf3: {  	s0 =	rddreg [dreg:$0x0];
	s2 =	stileid.u32  }
0xf4: {  	s1 =	rddreg [dreg:$0x1];
	p0 =	sne.s32 s2, $0x0  }
0xf5: {  	s3 =	rddreg [dreg:$0x2];
	[bflag:$0x3] =	sbarrier.arrive $0xFFFF;
	s2 =	simm.s32 @!p0 $0x1C03  }
0xf6: {  	[timem:s3], [sflag:s2] =	dma.local @!p0 [hbm:s0], s1  }
0xf7: {  	s0 =	simm.s32 @!p0 $0x3  }
0xf8: {  	_ =	swait.ge @!p0 [sflag:s0], s1  }
0xf9: {  	s1 =	ssub.s32 @!p0 $0x0, s1;
	[sflag:s0] =	ssyncset.done @!p0 $0x0  }
0xfa: {  	[sflag:s0] =	ssyncadd.s32 @!p0 s1  }
0xfb: {  	[bflag:$0x3] =	sbarrier.arrive $0xFFFF  }
0xfc: {  	_ =	shalt  }

</sc_bundles>
